<compile_context>
chip_gen: v7x
topology: tpu7x:2x2x1
jax: 0.10.2.dev20260603
libtpu: 0.0.44.dev20260713+nightly
codegen_flags: <defaults>
</compile_context>

<pallas_src>
import functools

import jax
import jax.numpy as jnp
from jax import lax
from jax.experimental import pallas as pl
from jax.experimental.pallas import tpu as pltpu
from jax.experimental.pallas import tpu_sc as plsc

_BIG = 1e10
_K = 3



def _knn_body(pos_t_ref, ps_ref, batch_ref, bs_ref, idx_ref, wn_ref):
    t = ps_ref.shape[0]
    n = pos_t_ref.shape[1]
    q = ps_ref[...]
    kx = pos_t_ref[0:1, :]
    ky = pos_t_ref[1:2, :]
    kz = pos_t_ref[2:3, :]
    dx = q[:, 0:1] - kx
    dy = q[:, 1:2] - ky
    dz = q[:, 2:3] - kz
    d2 = (dx * dx + dy * dy) + dz * dz
    mask = bs_ref[...] != batch_ref[...]
    d2m = jnp.where(mask, _BIG, d2)
    colidx = lax.broadcasted_iota(jnp.int32, (t, n), 1)
    sentinel = 2**30
    idxs = []
    d2s = []
    for _ in range(_K):
        m = jnp.min(d2m, axis=1, keepdims=True)
        eq = d2m == m
        sel = jnp.min(jnp.where(eq, colidx, sentinel), axis=1, keepdims=True)
        idxs.append(sel)
        d2s.append(m)
        d2m = jnp.where(colidx == sel, _BIG, d2m)
    w = [1.0 / jnp.maximum(d, 1e-16) for d in d2s]
    den = (w[0] + w[1]) + w[2]
    idx_ref[...] = jnp.concatenate(idxs, axis=1)
    wn_ref[...] = jnp.concatenate([wj / den for wj in w], axis=1)


def _knn_topk(pos_t, pos_skip, batch_row, bs_col, tile=256):
    m = pos_skip.shape[0]
    n = pos_t.shape[1]
    grid = (m // tile,)
    return pl.pallas_call(
        _knn_body,
        grid=grid,
        in_specs=[
            pl.BlockSpec((3, n), lambda i: (0, 0)),
            pl.BlockSpec((tile, 3), lambda i: (i, 0)),
            pl.BlockSpec((1, n), lambda i: (0, 0)),
            pl.BlockSpec((tile, 1), lambda i: (i, 0)),
        ],
        out_specs=[
            pl.BlockSpec((tile, _K), lambda i: (i, 0)),
            pl.BlockSpec((tile, _K), lambda i: (i, 0)),
        ],
        out_shape=[
            jax.ShapeDtypeStruct((m, _K), jnp.int32),
            jax.ShapeDtypeStruct((m, _K), jnp.float32),
        ],
    )(pos_t, pos_skip, batch_row, bs_col)



_NC = 2
_NS = 16
_NW = _NC * _NS


def _sc_gather(x, idx_flat):
    mk = idx_flat.shape[0]
    d = x.shape[1]
    per_w = mk // _NW
    chunk = 128
    n_chunks = per_w // chunk
    mesh = plsc.VectorSubcoreMesh(core_axis_name="c", subcore_axis_name="s")

    @functools.partial(
        pl.kernel,
        mesh=mesh,
        out_type=jax.ShapeDtypeStruct((mk, d), jnp.float32),
        scratch_types=[
            pltpu.VMEM((chunk,), jnp.int32),
            pltpu.VMEM((chunk, d), jnp.float32),
            pltpu.SemaphoreType.DMA,
        ],
    )
    def gather_kernel(x_hbm, idx_hbm, out_hbm, idx_v, rows_v, sem):
        wid = lax.axis_index("s") * _NC + lax.axis_index("c")
        for c in range(n_chunks):
            base = wid * per_w + c * chunk
            pltpu.sync_copy(idx_hbm.at[pl.ds(base, chunk)], idx_v)
            pltpu.async_copy(x_hbm.at[idx_v], rows_v, sem).wait()
            pltpu.sync_copy(rows_v, out_hbm.at[pl.ds(base, chunk)])

    return gather_kernel(x, idx_flat)




def _mlp_body(xg0_ref, xg1_ref, xg2_ref, wn_ref, xs_ref, w1a_ref, w1b_ref,
              b1_ref, w2_ref, b2_ref, out_ref):
    interp = (wn_ref[:, 0:1] * xg0_ref[...]
              + wn_ref[:, 1:2] * xg1_ref[...]
              + wn_ref[:, 2:3] * xg2_ref[...])
    h = jnp.dot(interp, w1a_ref[...], preferred_element_type=jnp.float32,
                precision=lax.Precision.HIGHEST)
    h += jnp.dot(xs_ref[...], w1b_ref[...], preferred_element_type=jnp.float32,
                 precision=lax.Precision.HIGHEST)
    h = jnp.maximum(h + b1_ref[...], 0.0)
    out = jnp.dot(h, w2_ref[...], preferred_element_type=jnp.float32,
                  precision=lax.Precision.HIGHEST)
    out_ref[...] = out + b2_ref[...]


def _interp_mlp(xg_flat, wn, x_skip, w1a, w1b, b1, w2, b2, tile=512):
    d_in = xg_flat.shape[1]
    m = xg_flat.shape[0] // _K
    d_skip = x_skip.shape[1]
    d_hid = w1a.shape[1]
    d_out = w2.shape[1]
    grid = (m // tile,)
    nt = m // tile
    return pl.pallas_call(
        _mlp_body,
        grid=grid,
        in_specs=[
            pl.BlockSpec((tile, d_in), lambda i: (i, 0)),
            pl.BlockSpec((tile, d_in), lambda i: (i + nt, 0)),
            pl.BlockSpec((tile, d_in), lambda i: (i + 2 * nt, 0)),
            pl.BlockSpec((tile, _K), lambda i: (i, 0)),
            pl.BlockSpec((tile, d_skip), lambda i: (i, 0)),
            pl.BlockSpec((d_in, d_hid), lambda i: (0, 0)),
            pl.BlockSpec((d_skip, d_hid), lambda i: (0, 0)),
            pl.BlockSpec((1, d_hid), lambda i: (0, 0)),
            pl.BlockSpec((d_hid, d_out), lambda i: (0, 0)),
            pl.BlockSpec((1, d_out), lambda i: (0, 0)),
        ],
        out_specs=pl.BlockSpec((tile, d_out), lambda i: (i, 0)),
        out_shape=jax.ShapeDtypeStruct((m, d_out), jnp.float32),
    )(xg_flat, xg_flat, xg_flat, wn, x_skip, w1a, w1b, b1, w2, b2)




def kernel(x, pos, batch, x_skip, pos_skip, batch_skip, W1, b1, W2, b2):
    n, d_in = x.shape
    m = pos_skip.shape[0]
    pos_t = pos.T
    batch_row = batch.astype(jnp.int32).reshape(1, n)
    bs_col = batch_skip.astype(jnp.int32).reshape(m, 1)
    idx, wn = _knn_topk(pos_t, pos_skip, batch_row, bs_col)
    xg_flat = _sc_gather(x, idx.T.reshape(-1))
    out = _interp_mlp(xg_flat, wn, x_skip, W1[:d_in], W1[d_in:],
                      b1.reshape(1, -1), W2, b2.reshape(1, -1))
    return (out, pos_skip, batch_skip)

# --- scband reference (transcript-rebuilt; emitter-appended) ---
"""Pipeline reference for scband-fpmodule-4209067950299 (READ-ONLY COPY).

The authoritative reference and input builder live on the scoring server;
editing this copy changes nothing except your own understanding.
"""

import jax, jax.numpy as jnp
import numpy as np

N_COARSE = 4096
N_FINE = 16384
D_IN = 256
D_SKIP = 128
D_HID = 256
D_OUT = 256
K = 3
B = 8


def setup_inputs(seed: int = 0) -> dict:
    key = jax.random.key(seed)
    ks = jax.random.split(key, 12)
    x = jax.random.normal(ks[0], (N_COARSE, D_IN), dtype=jnp.float32)
    pos = jax.random.uniform(ks[1], (N_COARSE, 3), dtype=jnp.float32)
    batch = jnp.sort(jax.random.randint(ks[2], (N_COARSE,), 0, B))
    x_skip = jax.random.normal(ks[3], (N_FINE, D_SKIP), dtype=jnp.float32)
    pos_skip = jax.random.uniform(ks[4], (N_FINE, 3), dtype=jnp.float32)
    batch_skip = jnp.sort(jax.random.randint(ks[5], (N_FINE,), 0, B))
    W1 = jax.random.normal(ks[6], (D_IN + D_SKIP, D_HID), dtype=jnp.float32) * 0.05
    b1 = jnp.zeros((D_HID,), dtype=jnp.float32)
    W2 = jax.random.normal(ks[7], (D_HID, D_OUT), dtype=jnp.float32) * 0.05
    b2 = jnp.zeros((D_OUT,), dtype=jnp.float32)
    return {"x": x, "pos": pos, "batch": batch, "x_skip": x_skip, "pos_skip": pos_skip, "batch_skip": batch_skip, "W1": W1, "b1": b1, "W2": W2, "b2": b2}


def reference(x, pos, batch, x_skip, pos_skip, batch_skip, W1, b1, W2, b2):
    # knn_interpolate (PyG semantics): k nearest coarse points per fine point,
    # restricted to the same batch element; inverse-squared-distance weights.
    d2 = jnp.sum((pos_skip[:, None, :] - pos[None, :, :]) ** 2, axis=-1)  # [M, N]
    mask = batch_skip[:, None] != batch[None, :]
    big = jnp.asarray(1e10, d2.dtype)
    d2m = jnp.where(mask, big, d2)
    neg_d, idx = jax.lax.top_k(-d2m, K)  # [M, K]
    d2k = -neg_d
    w = 1.0 / jnp.clip(d2k, 1e-16, None)  # [M, K]
    w = jax.lax.stop_gradient(w)  # PyG computes weights under torch.no_grad()
    xg = jnp.take(x, idx, axis=0)  # [M, K, D_IN]
    num = jnp.sum(xg * w[:, :, None], axis=1)
    den = jnp.sum(w, axis=1, keepdims=True)
    interp = num / den  # [M, D_IN]
    feat = jnp.concatenate([interp, x_skip], axis=1)  # [M, D_IN + D_SKIP]
    h = jnp.maximum(feat @ W1 + b1, 0.0)
    out = h @ W2 + b2
    return (out, pos_skip, batch_skip)

if __name__ == "__main__":
    import jax
    _d = setup_inputs()
    print(jax.jit(kernel)(*tuple(_d.values())))

</pallas_src>

<mosaic_0001>
#map = affine_map<(d0, d1) -> (0, 0)>
#map1 = affine_map<(d0, d1) -> (0)>
module attributes {stable_mosaic.version = 14 : i64} {
  func.func @gather_kernel(%arg0: i32, %arg1: i32, %arg2: memref<4096x256xf32, #tpu.memory_space<hbm>>, %arg3: memref<49152xi32, #tpu.memory_space<hbm>>, %arg4: memref<49152x256xf32, #tpu.memory_space<hbm>>, %arg5: memref<128xi32, #tpu.memory_space<vmem>>, %arg6: memref<128x256xf32, #tpu.memory_space<vmem>>, %arg7: memref<!tpu.dma_semaphore, #tpu.memory_space<semaphore_mem>>) attributes {dimension_semantics = [#tpu.dimension_semantics<core_parallel>, #tpu.dimension_semantics<subcore_parallel>], iteration_bounds = array<i64: 2, 16>, scalar_prefetch = 0 : i64, scratch_operands = 3 : i64, tpu.core_type = #tpu.core_type<sc_vector_subcore>, window_params = [{transform_indices = #map}, {transform_indices = #map1}, {transform_indices = #map}]} {
    %mul3A = arith.constant 2 : i32
    %mul3A_0 = arith.muli %arg1, %mul3A : i32
    %add3A = arith.addi %mul3A_0, %arg0 : i32
    %mul3A_1 = arith.constant 1536 : i32
    %mul3A_2 = arith.muli %add3A, %mul3A_1 : i32
    %add3A_3 = arith.constant 0 : i32
    %add3A_4 = arith.addi %mul3A_2, %add3A_3 : i32
    "tpu.region"() ({
      %run_scoped3A = tpu.sem_alloc : memref<!tpu.dma_semaphore, #tpu.memory_space<semaphore_mem>>
      %dma_start3A_119 = tpu.memref_slice %arg3[%add3A_4] : memref<49152xi32, #tpu.memory_space<hbm>> -> memref<128xi32, #tpu.memory_space<hbm>>
      %dma_start3A_120 = tpu.memref_slice %arg3[%add3A_4] : memref<49152xi32, #tpu.memory_space<hbm>> -> memref<128xi32, #tpu.memory_space<hbm>>
      tpu.enqueue_dma source(%dma_start3A_120 : memref<128xi32, #tpu.memory_space<hbm>>) target(%arg5 : memref<128xi32, #tpu.memory_space<vmem>>) target_semaphore(%run_scoped3A : memref<!tpu.dma_semaphore, #tpu.memory_space<semaphore_mem>>)
      %dma_wait3A_121 = tpu.memref_slice %arg3[%add3A_4] : memref<49152xi32, #tpu.memory_space<hbm>> -> memref<128xi32, #tpu.memory_space<hbm>>
      %dma_wait3A_122 = tpu.memref_slice %arg3[%add3A_4] : memref<49152xi32, #tpu.memory_space<hbm>> -> memref<128xi32, #tpu.memory_space<hbm>>
      tpu.wait_dma2 semaphore(%run_scoped3A : memref<!tpu.dma_semaphore, #tpu.memory_space<semaphore_mem>>) src(%dma_wait3A_122 : memref<128xi32, #tpu.memory_space<hbm>>) dst(%arg5 : memref<128xi32, #tpu.memory_space<vmem>>)
      tpu.yield
    }) : () -> ()
    %dma_start3A = arith.constant 0 : i32
    %dma_start3A_5 = arith.constant 0 : i32
    %dma_start3A_6 = tpu.memref_slice %arg2[%dma_start3A, %dma_start3A_5] : memref<4096x256xf32, #tpu.memory_space<hbm>> -> memref<4096x256xf32, #tpu.memory_space<hbm>>
    tpu.enqueue_indirect_dma source(%dma_start3A_6 : memref<4096x256xf32, #tpu.memory_space<hbm>>) target(%arg6 : memref<128x256xf32, #tpu.memory_space<vmem>>) offsets(%arg5 : memref<128xi32, #tpu.memory_space<vmem>>) semaphore(%arg7 : memref<!tpu.dma_semaphore, #tpu.memory_space<semaphore_mem>>)
    %dma_wait3A = arith.constant 0 : i32
    %dma_wait3A_7 = arith.constant 0 : i32
    %dma_wait3A_8 = tpu.memref_slice %arg2[%dma_wait3A, %dma_wait3A_7] : memref<4096x256xf32, #tpu.memory_space<hbm>> -> memref<4096x256xf32, #tpu.memory_space<hbm>>
    tpu.wait_indirect_dma semaphore(%arg7 : memref<!tpu.dma_semaphore, #tpu.memory_space<semaphore_mem>>) src(%dma_wait3A_8 : memref<4096x256xf32, #tpu.memory_space<hbm>>) dst(%arg6 : memref<128x256xf32, #tpu.memory_space<vmem>>)
    "tpu.region"() ({
      %run_scoped3A = tpu.sem_alloc : memref<!tpu.dma_semaphore, #tpu.memory_space<semaphore_mem>>
      %dma_start3A_119 = arith.constant 0 : i32
      %dma_start3A_120 = tpu.memref_slice %arg4[%add3A_4, %dma_start3A_119] : memref<49152x256xf32, #tpu.memory_space<hbm>> -> memref<128x256xf32, #tpu.memory_space<hbm>>
      %dma_start3A_121 = arith.constant 0 : i32
      %dma_start3A_122 = tpu.memref_slice %arg4[%add3A_4, %dma_start3A_121] : memref<49152x256xf32, #tpu.memory_space<hbm>> -> memref<128x256xf32, #tpu.memory_space<hbm>>
      tpu.enqueue_dma source(%arg6 : memref<128x256xf32, #tpu.memory_space<vmem>>) target(%dma_start3A_122 : memref<128x256xf32, #tpu.memory_space<hbm>>) target_semaphore(%run_scoped3A : memref<!tpu.dma_semaphore, #tpu.memory_space<semaphore_mem>>)
      %dma_wait3A_123 = arith.constant 0 : i32
      %dma_wait3A_124 = tpu.memref_slice %arg4[%add3A_4, %dma_wait3A_123] : memref<49152x256xf32, #tpu.memory_space<hbm>> -> memref<128x256xf32, #tpu.memory_space<hbm>>
      %dma_wait3A_125 = arith.constant 0 : i32
      %dma_wait3A_126 = tpu.memref_slice %arg4[%add3A_4, %dma_wait3A_125] : memref<49152x256xf32, #tpu.memory_space<hbm>> -> memref<128x256xf32, #tpu.memory_space<hbm>>
      tpu.wait_dma2 semaphore(%run_scoped3A : memref<!tpu.dma_semaphore, #tpu.memory_space<semaphore_mem>>) src(%arg6 : memref<128x256xf32, #tpu.memory_space<vmem>>) dst(%dma_wait3A_126 : memref<128x256xf32, #tpu.memory_space<hbm>>)
      tpu.yield
    }) : () -> ()
    %mul3A_9 = arith.constant 1536 : i32
    %mul3A_10 = arith.muli %add3A, %mul3A_9 : i32
    %add3A_11 = arith.constant 128 : i32
    %add3A_12 = arith.addi %mul3A_10, %add3A_11 : i32
    "tpu.region"() ({
      %run_scoped3A = tpu.sem_alloc : memref<!tpu.dma_semaphore, #tpu.memory_space<semaphore_mem>>
      %dma_start3A_119 = tpu.memref_slice %arg3[%add3A_12] : memref<49152xi32, #tpu.memory_space<hbm>> -> memref<128xi32, #tpu.memory_space<hbm>>
      %dma_start3A_120 = tpu.memref_slice %arg3[%add3A_12] : memref<49152xi32, #tpu.memory_space<hbm>> -> memref<128xi32, #tpu.memory_space<hbm>>
      tpu.enqueue_dma source(%dma_start3A_120 : memref<128xi32, #tpu.memory_space<hbm>>) target(%arg5 : memref<128xi32, #tpu.memory_space<vmem>>) target_semaphore(%run_scoped3A : memref<!tpu.dma_semaphore, #tpu.memory_space<semaphore_mem>>)
      %dma_wait3A_121 = tpu.memref_slice %arg3[%add3A_12] : memref<49152xi32, #tpu.memory_space<hbm>> -> memref<128xi32, #tpu.memory_space<hbm>>
      %dma_wait3A_122 = tpu.memref_slice %arg3[%add3A_12] : memref<49152xi32, #tpu.memory_space<hbm>> -> memref<128xi32, #tpu.memory_space<hbm>>
      tpu.wait_dma2 semaphore(%run_scoped3A : memref<!tpu.dma_semaphore, #tpu.memory_space<semaphore_mem>>) src(%dma_wait3A_122 : memref<128xi32, #tpu.memory_space<hbm>>) dst(%arg5 : memref<128xi32, #tpu.memory_space<vmem>>)
      tpu.yield
    }) : () -> ()
    %dma_start3A_13 = arith.constant 0 : i32
    %dma_start3A_14 = arith.constant 0 : i32
    %dma_start3A_15 = tpu.memref_slice %arg2[%dma_start3A_13, %dma_start3A_14] : memref<4096x256xf32, #tpu.memory_space<hbm>> -> memref<4096x256xf32, #tpu.memory_space<hbm>>
    tpu.enqueue_indirect_dma source(%dma_start3A_15 : memref<4096x256xf32, #tpu.memory_space<hbm>>) target(%arg6 : memref<128x256xf32, #tpu.memory_space<vmem>>) offsets(%arg5 : memref<128xi32, #tpu.memory_space<vmem>>) semaphore(%arg7 : memref<!tpu.dma_semaphore, #tpu.memory_space<semaphore_mem>>)
    %dma_wait3A_16 = arith.constant 0 : i32
    %dma_wait3A_17 = arith.constant 0 : i32
    %dma_wait3A_18 = tpu.memref_slice %arg2[%dma_wait3A_16, %dma_wait3A_17] : memref<4096x256xf32, #tpu.memory_space<hbm>> -> memref<4096x256xf32, #tpu.memory_space<hbm>>
    tpu.wait_indirect_dma semaphore(%arg7 : memref<!tpu.dma_semaphore, #tpu.memory_space<semaphore_mem>>) src(%dma_wait3A_18 : memref<4096x256xf32, #tpu.memory_space<hbm>>) dst(%arg6 : memref<128x256xf32, #tpu.memory_space<vmem>>)
    "tpu.region"() ({
      %run_scoped3A = tpu.sem_alloc : memref<!tpu.dma_semaphore, #tpu.memory_space<semaphore_mem>>
      %dma_start3A_119 = arith.constant 0 : i32
      %dma_start3A_120 = tpu.memref_slice %arg4[%add3A_12, %dma_start3A_119] : memref<49152x256xf32, #tpu.memory_space<hbm>> -> memref<128x256xf32, #tpu.memory_space<hbm>>
      %dma_start3A_121 = arith.constant 0 : i32
      %dma_start3A_122 = tpu.memref_slice %arg4[%add3A_12, %dma_start3A_121] : memref<49152x256xf32, #tpu.memory_space<hbm>> -> memref<128x256xf32, #tpu.memory_space<hbm>>
      tpu.enqueue_dma source(%arg6 : memref<128x256xf32, #tpu.memory_space<vmem>>) target(%dma_start3A_122 : memref<128x256xf32, #tpu.memory_space<hbm>>) target_semaphore(%run_scoped3A : memref<!tpu.dma_semaphore, #tpu.memory_space<semaphore_mem>>)
      %dma_wait3A_123 = arith.constant 0 : i32
      %dma_wait3A_124 = tpu.memref_slice %arg4[%add3A_12, %dma_wait3A_123] : memref<49152x256xf32, #tpu.memory_space<hbm>> -> memref<128x256xf32, #tpu.memory_space<hbm>>
      %dma_wait3A_125 = arith.constant 0 : i32
      %dma_wait3A_126 = tpu.memref_slice %arg4[%add3A_12, %dma_wait3A_125] : memref<49152x256xf32, #tpu.memory_space<hbm>> -> memref<128x256xf32, #tpu.memory_space<hbm>>
      tpu.wait_dma2 semaphore(%run_scoped3A : memref<!tpu.dma_semaphore, #tpu.memory_space<semaphore_mem>>) src(%arg6 : memref<128x256xf32, #tpu.memory_space<vmem>>) dst(%dma_wait3A_126 : memref<128x256xf32, #tpu.memory_space<hbm>>)
      tpu.yield
    }) : () -> ()
    %mul3A_19 = arith.constant 1536 : i32
    %mul3A_20 = arith.muli %add3A, %mul3A_19 : i32
    %add3A_21 = arith.constant 256 : i32
    %add3A_22 = arith.addi %mul3A_20, %add3A_21 : i32
    "tpu.region"() ({
      %run_scoped3A = tpu.sem_alloc : memref<!tpu.dma_semaphore, #tpu.memory_space<semaphore_mem>>
      %dma_start3A_119 = tpu.memref_slice %arg3[%add3A_22] : memref<49152xi32, #tpu.memory_space<hbm>> -> memref<128xi32, #tpu.memory_space<hbm>>
      %dma_start3A_120 = tpu.memref_slice %arg3[%add3A_22] : memref<49152xi32, #tpu.memory_space<hbm>> -> memref<128xi32, #tpu.memory_space<hbm>>
      tpu.enqueue_dma source(%dma_start3A_120 : memref<128xi32, #tpu.memory_space<hbm>>) target(%arg5 : memref<128xi32, #tpu.memory_space<vmem>>) target_semaphore(%run_scoped3A : memref<!tpu.dma_semaphore, #tpu.memory_space<semaphore_mem>>)
      %dma_wait3A_121 = tpu.memref_slice %arg3[%add3A_22] : memref<49152xi32, #tpu.memory_space<hbm>> -> memref<128xi32, #tpu.memory_space<hbm>>
      %dma_wait3A_122 = tpu.memref_slice %arg3[%add3A_22] : memref<49152xi32, #tpu.memory_space<hbm>> -> memref<128xi32, #tpu.memory_space<hbm>>
      tpu.wait_dma2 semaphore(%run_scoped3A : memref<!tpu.dma_semaphore, #tpu.memory_space<semaphore_mem>>) src(%dma_wait3A_122 : memref<128xi32, #tpu.memory_space<hbm>>) dst(%arg5 : memref<128xi32, #tpu.memory_space<vmem>>)
      tpu.yield
    }) : () -> ()
    %dma_start3A_23 = arith.constant 0 : i32
    %dma_start3A_24 = arith.constant 0 : i32
    %dma_start3A_25 = tpu.memref_slice %arg2[%dma_start3A_23, %dma_start3A_24] : memref<4096x256xf32, #tpu.memory_space<hbm>> -> memref<4096x256xf32, #tpu.memory_space<hbm>>
    tpu.enqueue_indirect_dma source(%dma_start3A_25 : memref<4096x256xf32, #tpu.memory_space<hbm>>) target(%arg6 : memref<128x256xf32, #tpu.memory_space<vmem>>) offsets(%arg5 : memref<128xi32, #tpu.memory_space<vmem>>) semaphore(%arg7 : memref<!tpu.dma_semaphore, #tpu.memory_space<semaphore_mem>>)
    %dma_wait3A_26 = arith.constant 0 : i32
    %dma_wait3A_27 = arith.constant 0 : i32
    %dma_wait3A_28 = tpu.memref_slice %arg2[%dma_wait3A_26, %dma_wait3A_27] : memref<4096x256xf32, #tpu.memory_space<hbm>> -> memref<4096x256xf32, #tpu.memory_space<hbm>>
    tpu.wait_indirect_dma semaphore(%arg7 : memref<!tpu.dma_semaphore, #tpu.memory_space<semaphore_mem>>) src(%dma_wait3A_28 : memref<4096x256xf32, #tpu.memory_space<hbm>>) dst(%arg6 : memref<128x256xf32, #tpu.memory_space<vmem>>)
    "tpu.region"() ({
      %run_scoped3A = tpu.sem_alloc : memref<!tpu.dma_semaphore, #tpu.memory_space<semaphore_mem>>
      %dma_start3A_119 = arith.constant 0 : i32
      %dma_start3A_120 = tpu.memref_slice %arg4[%add3A_22, %dma_start3A_119] : memref<49152x256xf32, #tpu.memory_space<hbm>> -> memref<128x256xf32, #tpu.memory_space<hbm>>
      %dma_start3A_121 = arith.constant 0 : i32
      %dma_start3A_122 = tpu.memref_slice %arg4[%add3A_22, %dma_start3A_121] : memref<49152x256xf32, #tpu.memory_space<hbm>> -> memref<128x256xf32, #tpu.memory_space<hbm>>
      tpu.enqueue_dma source(%arg6 : memref<128x256xf32, #tpu.memory_space<vmem>>) target(%dma_start3A_122 : memref<128x256xf32, #tpu.memory_space<hbm>>) target_semaphore(%run_scoped3A : memref<!tpu.dma_semaphore, #tpu.memory_space<semaphore_mem>>)
      %dma_wait3A_123 = arith.constant 0 : i32
      %dma_wait3A_124 = tpu.memref_slice %arg4[%add3A_22, %dma_wait3A_123] : memref<49152x256xf32, #tpu.memory_space<hbm>> -> memref<128x256xf32, #tpu.memory_space<hbm>>
      %dma_wait3A_125 = arith.constant 0 : i32
      %dma_wait3A_126 = tpu.memref_slice %arg4[%add3A_22, %dma_wait3A_125] : memref<49152x256xf32, #tpu.memory_space<hbm>> -> memref<128x256xf32, #tpu.memory_space<hbm>>
      tpu.wait_dma2 semaphore(%run_scoped3A : memref<!tpu.dma_semaphore, #tpu.memory_space<semaphore_mem>>) src(%arg6 : memref<128x256xf32, #tpu.memory_space<vmem>>) dst(%dma_wait3A_126 : memref<128x256xf32, #tpu.memory_space<hbm>>)
      tpu.yield
    }) : () -> ()
    %mul3A_29 = arith.constant 1536 : i32
    %mul3A_30 = arith.muli %add3A, %mul3A_29 : i32
    %add3A_31 = arith.constant 384 : i32
    %add3A_32 = arith.addi %mul3A_30, %add3A_31 : i32
    "tpu.region"() ({
      %run_scoped3A = tpu.sem_alloc : memref<!tpu.dma_semaphore, #tpu.memory_space<semaphore_mem>>
      %dma_start3A_119 = tpu.memref_slice %arg3[%add3A_32] : memref<49152xi32, #tpu.memory_space<hbm>> -> memref<128xi32, #tpu.memory_space<hbm>>
      %dma_start3A_120 = tpu.memref_slice %arg3[%add3A_32] : memref<49152xi32, #tpu.memory_space<hbm>> -> memref<128xi32, #tpu.memory_space<hbm>>
      tpu.enqueue_dma source(%dma_start3A_120 : memref<128xi32, #tpu.memory_space<hbm>>) target(%arg5 : memref<128xi32, #tpu.memory_space<vmem>>) target_semaphore(%run_scoped3A : memref<!tpu.dma_semaphore, #tpu.memory_space<semaphore_mem>>)
      %dma_wait3A_121 = tpu.memref_slice %arg3[%add3A_32] : memref<49152xi32, #tpu.memory_space<hbm>> -> memref<128xi32, #tpu.memory_space<hbm>>
      %dma_wait3A_122 = tpu.memref_slice %arg3[%add3A_32] : memref<49152xi32, #tpu.memory_space<hbm>> -> memref<128xi32, #tpu.memory_space<hbm>>
      tpu.wait_dma2 semaphore(%run_scoped3A : memref<!tpu.dma_semaphore, #tpu.memory_space<semaphore_mem>>) src(%dma_wait3A_122 : memref<128xi32, #tpu.memory_space<hbm>>) dst(%arg5 : memref<128xi32, #tpu.memory_space<vmem>>)
      tpu.yield
    }) : () -> ()
    %dma_start3A_33 = arith.constant 0 : i32
    %dma_start3A_34 = arith.constant 0 : i32
    %dma_start3A_35 = tpu.memref_slice %arg2[%dma_start3A_33, %dma_start3A_34] : memref<4096x256xf32, #tpu.memory_space<hbm>> -> memref<4096x256xf32, #tpu.memory_space<hbm>>
    tpu.enqueue_indirect_dma source(%dma_start3A_35 : memref<4096x256xf32, #tpu.memory_space<hbm>>) target(%arg6 : memref<128x256xf32, #tpu.memory_space<vmem>>) offsets(%arg5 : memref<128xi32, #tpu.memory_space<vmem>>) semaphore(%arg7 : memref<!tpu.dma_semaphore, #tpu.memory_space<semaphore_mem>>)
    %dma_wait3A_36 = arith.constant 0 : i32
    %dma_wait3A_37 = arith.constant 0 : i32
    %dma_wait3A_38 = tpu.memref_slice %arg2[%dma_wait3A_36, %dma_wait3A_37] : memref<4096x256xf32, #tpu.memory_space<hbm>> -> memref<4096x256xf32, #tpu.memory_space<hbm>>
    tpu.wait_indirect_dma semaphore(%arg7 : memref<!tpu.dma_semaphore, #tpu.memory_space<semaphore_mem>>) src(%dma_wait3A_38 : memref<4096x256xf32, #tpu.memory_space<hbm>>) dst(%arg6 : memref<128x256xf32, #tpu.memory_space<vmem>>)
    "tpu.region"() ({
      %run_scoped3A = tpu.sem_alloc : memref<!tpu.dma_semaphore, #tpu.memory_space<semaphore_mem>>
      %dma_start3A_119 = arith.constant 0 : i32
      %dma_start3A_120 = tpu.memref_slice %arg4[%add3A_32, %dma_start3A_119] : memref<49152x256xf32, #tpu.memory_space<hbm>> -> memref<128x256xf32, #tpu.memory_space<hbm>>
      %dma_start3A_121 = arith.constant 0 : i32
      %dma_start3A_122 = tpu.memref_slice %arg4[%add3A_32, %dma_start3A_121] : memref<49152x256xf32, #tpu.memory_space<hbm>> -> memref<128x256xf32, #tpu.memory_space<hbm>>
      tpu.enqueue_dma source(%arg6 : memref<128x256xf32, #tpu.memory_space<vmem>>) target(%dma_start3A_122 : memref<128x256xf32, #tpu.memory_space<hbm>>) target_semaphore(%run_scoped3A : memref<!tpu.dma_semaphore, #tpu.memory_space<semaphore_mem>>)
      %dma_wait3A_123 = arith.constant 0 : i32
      %dma_wait3A_124 = tpu.memref_slice %arg4[%add3A_32, %dma_wait3A_123] : memref<49152x256xf32, #tpu.memory_space<hbm>> -> memref<128x256xf32, #tpu.memory_space<hbm>>
      %dma_wait3A_125 = arith.constant 0 : i32
      %dma_wait3A_126 = tpu.memref_slice %arg4[%add3A_32, %dma_wait3A_125] : memref<49152x256xf32, #tpu.memory_space<hbm>> -> memref<128x256xf32, #tpu.memory_space<hbm>>
      tpu.wait_dma2 semaphore(%run_scoped3A : memref<!tpu.dma_semaphore, #tpu.memory_space<semaphore_mem>>) src(%arg6 : memref<128x256xf32, #tpu.memory_space<vmem>>) dst(%dma_wait3A_126 : memref<128x256xf32, #tpu.memory_space<hbm>>)
      tpu.yield
    }) : () -> ()
    %mul3A_39 = arith.constant 1536 : i32
    %mul3A_40 = arith.muli %add3A, %mul3A_39 : i32
    %add3A_41 = arith.constant 512 : i32
    %add3A_42 = arith.addi %mul3A_40, %add3A_41 : i32
    "tpu.region"() ({
      %run_scoped3A = tpu.sem_alloc : memref<!tpu.dma_semaphore, #tpu.memory_space<semaphore_mem>>
      %dma_start3A_119 = tpu.memref_slice %arg3[%add3A_42] : memref<49152xi32, #tpu.memory_space<hbm>> -> memref<128xi32, #tpu.memory_space<hbm>>
      %dma_start3A_120 = tpu.memref_slice %arg3[%add3A_42] : memref<49152xi32, #tpu.memory_space<hbm>> -> memref<128xi32, #tpu.memory_space<hbm>>
      tpu.enqueue_dma source(%dma_start3A_120 : memref<128xi32, #tpu.memory_space<hbm>>) target(%arg5 : memref<128xi32, #tpu.memory_space<vmem>>) target_semaphore(%run_scoped3A : memref<!tpu.dma_semaphore, #tpu.memory_space<semaphore_mem>>)
      %dma_wait3A_121 = tpu.memref_slice %arg3[%add3A_42] : memref<49152xi32, #tpu.memory_space<hbm>> -> memref<128xi32, #tpu.memory_space<hbm>>
      %dma_wait3A_122 = tpu.memref_slice %arg3[%add3A_42] : memref<49152xi32, #tpu.memory_space<hbm>> -> memref<128xi32, #tpu.memory_space<hbm>>
      tpu.wait_dma2 semaphore(%run_scoped3A : memref<!tpu.dma_semaphore, #tpu.memory_space<semaphore_mem>>) src(%dma_wait3A_122 : memref<128xi32, #tpu.memory_space<hbm>>) dst(%arg5 : memref<128xi32, #tpu.memory_space<vmem>>)
      tpu.yield
    }) : () -> ()
    %dma_start3A_43 = arith.constant 0 : i32
    %dma_start3A_44 = arith.constant 0 : i32
    %dma_start3A_45 = tpu.memref_slice %arg2[%dma_start3A_43, %dma_start3A_44] : memref<4096x256xf32, #tpu.memory_space<hbm>> -> memref<4096x256xf32, #tpu.memory_space<hbm>>
    tpu.enqueue_indirect_dma source(%dma_start3A_45 : memref<4096x256xf32, #tpu.memory_space<hbm>>) target(%arg6 : memref<128x256xf32, #tpu.memory_space<vmem>>) offsets(%arg5 : memref<128xi32, #tpu.memory_space<vmem>>) semaphore(%arg7 : memref<!tpu.dma_semaphore, #tpu.memory_space<semaphore_mem>>)
    %dma_wait3A_46 = arith.constant 0 : i32
    %dma_wait3A_47 = arith.constant 0 : i32
    %dma_wait3A_48 = tpu.memref_slice %arg2[%dma_wait3A_46, %dma_wait3A_47] : memref<4096x256xf32, #tpu.memory_space<hbm>> -> memref<4096x256xf32, #tpu.memory_space<hbm>>
    tpu.wait_indirect_dma semaphore(%arg7 : memref<!tpu.dma_semaphore, #tpu.memory_space<semaphore_mem>>) src(%dma_wait3A_48 : memref<4096x256xf32, #tpu.memory_space<hbm>>) dst(%arg6 : memref<128x256xf32, #tpu.memory_space<vmem>>)
    "tpu.region"() ({
      %run_scoped3A = tpu.sem_alloc : memref<!tpu.dma_semaphore, #tpu.memory_space<semaphore_mem>>
      %dma_start3A_119 = arith.constant 0 : i32
      %dma_start3A_120 = tpu.memref_slice %arg4[%add3A_42, %dma_start3A_119] : memref<49152x256xf32, #tpu.memory_space<hbm>> -> memref<128x256xf32, #tpu.memory_space<hbm>>
      %dma_start3A_121 = arith.constant 0 : i32
      %dma_start3A_122 = tpu.memref_slice %arg4[%add3A_42, %dma_start3A_121] : memref<49152x256xf32, #tpu.memory_space<hbm>> -> memref<128x256xf32, #tpu.memory_space<hbm>>
      tpu.enqueue_dma source(%arg6 : memref<128x256xf32, #tpu.memory_space<vmem>>) target(%dma_start3A_122 : memref<128x256xf32, #tpu.memory_space<hbm>>) target_semaphore(%run_scoped3A : memref<!tpu.dma_semaphore, #tpu.memory_space<semaphore_mem>>)
      %dma_wait3A_123 = arith.constant 0 : i32
      %dma_wait3A_124 = tpu.memref_slice %arg4[%add3A_42, %dma_wait3A_123] : memref<49152x256xf32, #tpu.memory_space<hbm>> -> memref<128x256xf32, #tpu.memory_space<hbm>>
      %dma_wait3A_125 = arith.constant 0 : i32
      %dma_wait3A_126 = tpu.memref_slice %arg4[%add3A_42, %dma_wait3A_125] : memref<49152x256xf32, #tpu.memory_space<hbm>> -> memref<128x256xf32, #tpu.memory_space<hbm>>
      tpu.wait_dma2 semaphore(%run_scoped3A : memref<!tpu.dma_semaphore, #tpu.memory_space<semaphore_mem>>) src(%arg6 : memref<128x256xf32, #tpu.memory_space<vmem>>) dst(%dma_wait3A_126 : memref<128x256xf32, #tpu.memory_space<hbm>>)
      tpu.yield
    }) : () -> ()
    %mul3A_49 = arith.constant 1536 : i32
    %mul3A_50 = arith.muli %add3A, %mul3A_49 : i32
    %add3A_51 = arith.constant 640 : i32
    %add3A_52 = arith.addi %mul3A_50, %add3A_51 : i32
    "tpu.region"() ({
      %run_scoped3A = tpu.sem_alloc : memref<!tpu.dma_semaphore, #tpu.memory_space<semaphore_mem>>
      %dma_start3A_119 = tpu.memref_slice %arg3[%add3A_52] : memref<49152xi32, #tpu.memory_space<hbm>> -> memref<128xi32, #tpu.memory_space<hbm>>
      %dma_start3A_120 = tpu.memref_slice %arg3[%add3A_52] : memref<49152xi32, #tpu.memory_space<hbm>> -> memref<128xi32, #tpu.memory_space<hbm>>
      tpu.enqueue_dma source(%dma_start3A_120 : memref<128xi32, #tpu.memory_space<hbm>>) target(%arg5 : memref<128xi32, #tpu.memory_space<vmem>>) target_semaphore(%run_scoped3A : memref<!tpu.dma_semaphore, #tpu.memory_space<semaphore_mem>>)
      %dma_wait3A_121 = tpu.memref_slice %arg3[%add3A_52] : memref<49152xi32, #tpu.memory_space<hbm>> -> memref<128xi32, #tpu.memory_space<hbm>>
      %dma_wait3A_122 = tpu.memref_slice %arg3[%add3A_52] : memref<49152xi32, #tpu.memory_space<hbm>> -> memref<128xi32, #tpu.memory_space<hbm>>
      tpu.wait_dma2 semaphore(%run_scoped3A : memref<!tpu.dma_semaphore, #tpu.memory_space<semaphore_mem>>) src(%dma_wait3A_122 : memref<128xi32, #tpu.memory_space<hbm>>) dst(%arg5 : memref<128xi32, #tpu.memory_space<vmem>>)
      tpu.yield
    }) : () -> ()
    %dma_start3A_53 = arith.constant 0 : i32
    %dma_start3A_54 = arith.constant 0 : i32
    %dma_start3A_55 = tpu.memref_slice %arg2[%dma_start3A_53, %dma_start3A_54] : memref<4096x256xf32, #tpu.memory_space<hbm>> -> memref<4096x256xf32, #tpu.memory_space<hbm>>
    tpu.enqueue_indirect_dma source(%dma_start3A_55 : memref<4096x256xf32, #tpu.memory_space<hbm>>) target(%arg6 : memref<128x256xf32, #tpu.memory_space<vmem>>) offsets(%arg5 : memref<128xi32, #tpu.memory_space<vmem>>) semaphore(%arg7 : memref<!tpu.dma_semaphore, #tpu.memory_space<semaphore_mem>>)
    %dma_wait3A_56 = arith.constant 0 : i32
    %dma_wait3A_57 = arith.constant 0 : i32
    %dma_wait3A_58 = tpu.memref_slice %arg2[%dma_wait3A_56, %dma_wait3A_57] : memref<4096x256xf32, #tpu.memory_space<hbm>> -> memref<4096x256xf32, #tpu.memory_space<hbm>>
    tpu.wait_indirect_dma semaphore(%arg7 : memref<!tpu.dma_semaphore, #tpu.memory_space<semaphore_mem>>) src(%dma_wait3A_58 : memref<4096x256xf32, #tpu.memory_space<hbm>>) dst(%arg6 : memref<128x256xf32, #tpu.memory_space<vmem>>)
    "tpu.region"() ({
      %run_scoped3A = tpu.sem_alloc : memref<!tpu.dma_semaphore, #tpu.memory_space<semaphore_mem>>
      %dma_start3A_119 = arith.constant 0 : i32
      %dma_start3A_120 = tpu.memref_slice %arg4[%add3A_52, %dma_start3A_119] : memref<49152x256xf32, #tpu.memory_space<hbm>> -> memref<128x256xf32, #tpu.memory_space<hbm>>
      %dma_start3A_121 = arith.constant 0 : i32
      %dma_start3A_122 = tpu.memref_slice %arg4[%add3A_52, %dma_start3A_121] : memref<49152x256xf32, #tpu.memory_space<hbm>> -> memref<128x256xf32, #tpu.memory_space<hbm>>
      tpu.enqueue_dma source(%arg6 : memref<128x256xf32, #tpu.memory_space<vmem>>) target(%dma_start3A_122 : memref<128x256xf32, #tpu.memory_space<hbm>>) target_semaphore(%run_scoped3A : memref<!tpu.dma_semaphore, #tpu.memory_space<semaphore_mem>>)
      %dma_wait3A_123 = arith.constant 0 : i32
      %dma_wait3A_124 = tpu.memref_slice %arg4[%add3A_52, %dma_wait3A_123] : memref<49152x256xf32, #tpu.memory_space<hbm>> -> memref<128x256xf32, #tpu.memory_space<hbm>>
      %dma_wait3A_125 = arith.constant 0 : i32
      %dma_wait3A_126 = tpu.memref_slice %arg4[%add3A_52, %dma_wait3A_125] : memref<49152x256xf32, #tpu.memory_space<hbm>> -> memref<128x256xf32, #tpu.memory_space<hbm>>
      tpu.wait_dma2 semaphore(%run_scoped3A : memref<!tpu.dma_semaphore, #tpu.memory_space<semaphore_mem>>) src(%arg6 : memref<128x256xf32, #tpu.memory_space<vmem>>) dst(%dma_wait3A_126 : memref<128x256xf32, #tpu.memory_space<hbm>>)
      tpu.yield
    }) : () -> ()
    %mul3A_59 = arith.constant 1536 : i32
    %mul3A_60 = arith.muli %add3A, %mul3A_59 : i32
    %add3A_61 = arith.constant 768 : i32
    %add3A_62 = arith.addi %mul3A_60, %add3A_61 : i32
    "tpu.region"() ({
      %run_scoped3A = tpu.sem_alloc : memref<!tpu.dma_semaphore, #tpu.memory_space<semaphore_mem>>
      %dma_start3A_119 = tpu.memref_slice %arg3[%add3A_62] : memref<49152xi32, #tpu.memory_space<hbm>> -> memref<128xi32, #tpu.memory_space<hbm>>
      %dma_start3A_120 = tpu.memref_slice %arg3[%add3A_62] : memref<49152xi32, #tpu.memory_space<hbm>> -> memref<128xi32, #tpu.memory_space<hbm>>
      tpu.enqueue_dma source(%dma_start3A_120 : memref<128xi32, #tpu.memory_space<hbm>>) target(%arg5 : memref<128xi32, #tpu.memory_space<vmem>>) target_semaphore(%run_scoped3A : memref<!tpu.dma_semaphore, #tpu.memory_space<semaphore_mem>>)
      %dma_wait3A_121 = tpu.memref_slice %arg3[%add3A_62] : memref<49152xi32, #tpu.memory_space<hbm>> -> memref<128xi32, #tpu.memory_space<hbm>>
      %dma_wait3A_122 = tpu.memref_slice %arg3[%add3A_62] : memref<49152xi32, #tpu.memory_space<hbm>> -> memref<128xi32, #tpu.memory_space<hbm>>
      tpu.wait_dma2 semaphore(%run_scoped3A : memref<!tpu.dma_semaphore, #tpu.memory_space<semaphore_mem>>) src(%dma_wait3A_122 : memref<128xi32, #tpu.memory_space<hbm>>) dst(%arg5 : memref<128xi32, #tpu.memory_space<vmem>>)
      tpu.yield
    }) : () -> ()
    %dma_start3A_63 = arith.constant 0 : i32
    %dma_start3A_64 = arith.constant 0 : i32
    %dma_start3A_65 = tpu.memref_slice %arg2[%dma_start3A_63, %dma_start3A_64] : memref<4096x256xf32, #tpu.memory_space<hbm>> -> memref<4096x256xf32, #tpu.memory_space<hbm>>
    tpu.enqueue_indirect_dma source(%dma_start3A_65 : memref<4096x256xf32, #tpu.memory_space<hbm>>) target(%arg6 : memref<128x256xf32, #tpu.memory_space<vmem>>) offsets(%arg5 : memref<128xi32, #tpu.memory_space<vmem>>) semaphore(%arg7 : memref<!tpu.dma_semaphore, #tpu.memory_space<semaphore_mem>>)
    %dma_wait3A_66 = arith.constant 0 : i32
    %dma_wait3A_67 = arith.constant 0 : i32
    %dma_wait3A_68 = tpu.memref_slice %arg2[%dma_wait3A_66, %dma_wait3A_67] : memref<4096x256xf32, #tpu.memory_space<hbm>> -> memref<4096x256xf32, #tpu.memory_space<hbm>>
    tpu.wait_indirect_dma semaphore(%arg7 : memref<!tpu.dma_semaphore, #tpu.memory_space<semaphore_mem>>) src(%dma_wait3A_68 : memref<4096x256xf32, #tpu.memory_space<hbm>>) dst(%arg6 : memref<128x256xf32, #tpu.memory_space<vmem>>)
    "tpu.region"() ({
      %run_scoped3A = tpu.sem_alloc : memref<!tpu.dma_semaphore, #tpu.memory_space<semaphore_mem>>
      %dma_start3A_119 = arith.constant 0 : i32
      %dma_start3A_120 = tpu.memref_slice %arg4[%add3A_62, %dma_start3A_119] : memref<49152x256xf32, #tpu.memory_space<hbm>> -> memref<128x256xf32, #tpu.memory_space<hbm>>
      %dma_start3A_121 = arith.constant 0 : i32
      %dma_start3A_122 = tpu.memref_slice %arg4[%add3A_62, %dma_start3A_121] : memref<49152x256xf32, #tpu.memory_space<hbm>> -> memref<128x256xf32, #tpu.memory_space<hbm>>
      tpu.enqueue_dma source(%arg6 : memref<128x256xf32, #tpu.memory_space<vmem>>) target(%dma_start3A_122 : memref<128x256xf32, #tpu.memory_space<hbm>>) target_semaphore(%run_scoped3A : memref<!tpu.dma_semaphore, #tpu.memory_space<semaphore_mem>>)
      %dma_wait3A_123 = arith.constant 0 : i32
      %dma_wait3A_124 = tpu.memref_slice %arg4[%add3A_62, %dma_wait3A_123] : memref<49152x256xf32, #tpu.memory_space<hbm>> -> memref<128x256xf32, #tpu.memory_space<hbm>>
      %dma_wait3A_125 = arith.constant 0 : i32
      %dma_wait3A_126 = tpu.memref_slice %arg4[%add3A_62, %dma_wait3A_125] : memref<49152x256xf32, #tpu.memory_space<hbm>> -> memref<128x256xf32, #tpu.memory_space<hbm>>
      tpu.wait_dma2 semaphore(%run_scoped3A : memref<!tpu.dma_semaphore, #tpu.memory_space<semaphore_mem>>) src(%arg6 : memref<128x256xf32, #tpu.memory_space<vmem>>) dst(%dma_wait3A_126 : memref<128x256xf32, #tpu.memory_space<hbm>>)
      tpu.yield
    }) : () -> ()
    %mul3A_69 = arith.constant 1536 : i32
    %mul3A_70 = arith.muli %add3A, %mul3A_69 : i32
    %add3A_71 = arith.constant 896 : i32
    %add3A_72 = arith.addi %mul3A_70, %add3A_71 : i32
    "tpu.region"() ({
      %run_scoped3A = tpu.sem_alloc : memref<!tpu.dma_semaphore, #tpu.memory_space<semaphore_mem>>
      %dma_start3A_119 = tpu.memref_slice %arg3[%add3A_72] : memref<49152xi32, #tpu.memory_space<hbm>> -> memref<128xi32, #tpu.memory_space<hbm>>
      %dma_start3A_120 = tpu.memref_slice %arg3[%add3A_72] : memref<49152xi32, #tpu.memory_space<hbm>> -> memref<128xi32, #tpu.memory_space<hbm>>
      tpu.enqueue_dma source(%dma_start3A_120 : memref<128xi32, #tpu.memory_space<hbm>>) target(%arg5 : memref<128xi32, #tpu.memory_space<vmem>>) target_semaphore(%run_scoped3A : memref<!tpu.dma_semaphore, #tpu.memory_space<semaphore_mem>>)
      %dma_wait3A_121 = tpu.memref_slice %arg3[%add3A_72] : memref<49152xi32, #tpu.memory_space<hbm>> -> memref<128xi32, #tpu.memory_space<hbm>>
      %dma_wait3A_122 = tpu.memref_slice %arg3[%add3A_72] : memref<49152xi32, #tpu.memory_space<hbm>> -> memref<128xi32, #tpu.memory_space<hbm>>
      tpu.wait_dma2 semaphore(%run_scoped3A : memref<!tpu.dma_semaphore, #tpu.memory_space<semaphore_mem>>) src(%dma_wait3A_122 : memref<128xi32, #tpu.memory_space<hbm>>) dst(%arg5 : memref<128xi32, #tpu.memory_space<vmem>>)
      tpu.yield
    }) : () -> ()
    %dma_start3A_73 = arith.constant 0 : i32
    %dma_start3A_74 = arith.constant 0 : i32
    %dma_start3A_75 = tpu.memref_slice %arg2[%dma_start3A_73, %dma_start3A_74] : memref<4096x256xf32, #tpu.memory_space<hbm>> -> memref<4096x256xf32, #tpu.memory_space<hbm>>
    tpu.enqueue_indirect_dma source(%dma_start3A_75 : memref<4096x256xf32, #tpu.memory_space<hbm>>) target(%arg6 : memref<128x256xf32, #tpu.memory_space<vmem>>) offsets(%arg5 : memref<128xi32, #tpu.memory_space<vmem>>) semaphore(%arg7 : memref<!tpu.dma_semaphore, #tpu.memory_space<semaphore_mem>>)
    %dma_wait3A_76 = arith.constant 0 : i32
    %dma_wait3A_77 = arith.constant 0 : i32
    %dma_wait3A_78 = tpu.memref_slice %arg2[%dma_wait3A_76, %dma_wait3A_77] : memref<4096x256xf32, #tpu.memory_space<hbm>> -> memref<4096x256xf32, #tpu.memory_space<hbm>>
    tpu.wait_indirect_dma semaphore(%arg7 : memref<!tpu.dma_semaphore, #tpu.memory_space<semaphore_mem>>) src(%dma_wait3A_78 : memref<4096x256xf32, #tpu.memory_space<hbm>>) dst(%arg6 : memref<128x256xf32, #tpu.memory_space<vmem>>)
    "tpu.region"() ({
      %run_scoped3A = tpu.sem_alloc : memref<!tpu.dma_semaphore, #tpu.memory_space<semaphore_mem>>
      %dma_start3A_119 = arith.constant 0 : i32
      %dma_start3A_120 = tpu.memref_slice %arg4[%add3A_72, %dma_start3A_119] : memref<49152x256xf32, #tpu.memory_space<hbm>> -> memref<128x256xf32, #tpu.memory_space<hbm>>
      %dma_start3A_121 = arith.constant 0 : i32
      %dma_start3A_122 = tpu.memref_slice %arg4[%add3A_72, %dma_start3A_121] : memref<49152x256xf32, #tpu.memory_space<hbm>> -> memref<128x256xf32, #tpu.memory_space<hbm>>
      tpu.enqueue_dma source(%arg6 : memref<128x256xf32, #tpu.memory_space<vmem>>) target(%dma_start3A_122 : memref<128x256xf32, #tpu.memory_space<hbm>>) target_semaphore(%run_scoped3A : memref<!tpu.dma_semaphore, #tpu.memory_space<semaphore_mem>>)
      %dma_wait3A_123 = arith.constant 0 : i32
      %dma_wait3A_124 = tpu.memref_slice %arg4[%add3A_72, %dma_wait3A_123] : memref<49152x256xf32, #tpu.memory_space<hbm>> -> memref<128x256xf32, #tpu.memory_space<hbm>>
      %dma_wait3A_125 = arith.constant 0 : i32
      %dma_wait3A_126 = tpu.memref_slice %arg4[%add3A_72, %dma_wait3A_125] : memref<49152x256xf32, #tpu.memory_space<hbm>> -> memref<128x256xf32, #tpu.memory_space<hbm>>
      tpu.wait_dma2 semaphore(%run_scoped3A : memref<!tpu.dma_semaphore, #tpu.memory_space<semaphore_mem>>) src(%arg6 : memref<128x256xf32, #tpu.memory_space<vmem>>) dst(%dma_wait3A_126 : memref<128x256xf32, #tpu.memory_space<hbm>>)
      tpu.yield
    }) : () -> ()
    %mul3A_79 = arith.constant 1536 : i32
    %mul3A_80 = arith.muli %add3A, %mul3A_79 : i32
    %add3A_81 = arith.constant 1024 : i32
    %add3A_82 = arith.addi %mul3A_80, %add3A_81 : i32
    "tpu.region"() ({
      %run_scoped3A = tpu.sem_alloc : memref<!tpu.dma_semaphore, #tpu.memory_space<semaphore_mem>>
      %dma_start3A_119 = tpu.memref_slice %arg3[%add3A_82] : memref<49152xi32, #tpu.memory_space<hbm>> -> memref<128xi32, #tpu.memory_space<hbm>>
      %dma_start3A_120 = tpu.memref_slice %arg3[%add3A_82] : memref<49152xi32, #tpu.memory_space<hbm>> -> memref<128xi32, #tpu.memory_space<hbm>>
      tpu.enqueue_dma source(%dma_start3A_120 : memref<128xi32, #tpu.memory_space<hbm>>) target(%arg5 : memref<128xi32, #tpu.memory_space<vmem>>) target_semaphore(%run_scoped3A : memref<!tpu.dma_semaphore, #tpu.memory_space<semaphore_mem>>)
      %dma_wait3A_121 = tpu.memref_slice %arg3[%add3A_82] : memref<49152xi32, #tpu.memory_space<hbm>> -> memref<128xi32, #tpu.memory_space<hbm>>
      %dma_wait3A_122 = tpu.memref_slice %arg3[%add3A_82] : memref<49152xi32, #tpu.memory_space<hbm>> -> memref<128xi32, #tpu.memory_space<hbm>>
      tpu.wait_dma2 semaphore(%run_scoped3A : memref<!tpu.dma_semaphore, #tpu.memory_space<semaphore_mem>>) src(%dma_wait3A_122 : memref<128xi32, #tpu.memory_space<hbm>>) dst(%arg5 : memref<128xi32, #tpu.memory_space<vmem>>)
      tpu.yield
    }) : () -> ()
    %dma_start3A_83 = arith.constant 0 : i32
    %dma_start3A_84 = arith.constant 0 : i32
    %dma_start3A_85 = tpu.memref_slice %arg2[%dma_start3A_83, %dma_start3A_84] : memref<4096x256xf32, #tpu.memory_space<hbm>> -> memref<4096x256xf32, #tpu.memory_space<hbm>>
    tpu.enqueue_indirect_dma source(%dma_start3A_85 : memref<4096x256xf32, #tpu.memory_space<hbm>>) target(%arg6 : memref<128x256xf32, #tpu.memory_space<vmem>>) offsets(%arg5 : memref<128xi32, #tpu.memory_space<vmem>>) semaphore(%arg7 : memref<!tpu.dma_semaphore, #tpu.memory_space<semaphore_mem>>)
    %dma_wait3A_86 = arith.constant 0 : i32
    %dma_wait3A_87 = arith.constant 0 : i32
    %dma_wait3A_88 = tpu.memref_slice %arg2[%dma_wait3A_86, %dma_wait3A_87] : memref<4096x256xf32, #tpu.memory_space<hbm>> -> memref<4096x256xf32, #tpu.memory_space<hbm>>
    tpu.wait_indirect_dma semaphore(%arg7 : memref<!tpu.dma_semaphore, #tpu.memory_space<semaphore_mem>>) src(%dma_wait3A_88 : memref<4096x256xf32, #tpu.memory_space<hbm>>) dst(%arg6 : memref<128x256xf32, #tpu.memory_space<vmem>>)
    "tpu.region"() ({
      %run_scoped3A = tpu.sem_alloc : memref<!tpu.dma_semaphore, #tpu.memory_space<semaphore_mem>>
      %dma_start3A_119 = arith.constant 0 : i32
      %dma_start3A_120 = tpu.memref_slice %arg4[%add3A_82, %dma_start3A_119] : memref<49152x256xf32, #tpu.memory_space<hbm>> -> memref<128x256xf32, #tpu.memory_space<hbm>>
      %dma_start3A_121 = arith.constant 0 : i32
      %dma_start3A_122 = tpu.memref_slice %arg4[%add3A_82, %dma_start3A_121] : memref<49152x256xf32, #tpu.memory_space<hbm>> -> memref<128x256xf32, #tpu.memory_space<hbm>>
      tpu.enqueue_dma source(%arg6 : memref<128x256xf32, #tpu.memory_space<vmem>>) target(%dma_start3A_122 : memref<128x256xf32, #tpu.memory_space<hbm>>) target_semaphore(%run_scoped3A : memref<!tpu.dma_semaphore, #tpu.memory_space<semaphore_mem>>)
      %dma_wait3A_123 = arith.constant 0 : i32
      %dma_wait3A_124 = tpu.memref_slice %arg4[%add3A_82, %dma_wait3A_123] : memref<49152x256xf32, #tpu.memory_space<hbm>> -> memref<128x256xf32, #tpu.memory_space<hbm>>
      %dma_wait3A_125 = arith.constant 0 : i32
      %dma_wait3A_126 = tpu.memref_slice %arg4[%add3A_82, %dma_wait3A_125] : memref<49152x256xf32, #tpu.memory_space<hbm>> -> memref<128x256xf32, #tpu.memory_space<hbm>>
      tpu.wait_dma2 semaphore(%run_scoped3A : memref<!tpu.dma_semaphore, #tpu.memory_space<semaphore_mem>>) src(%arg6 : memref<128x256xf32, #tpu.memory_space<vmem>>) dst(%dma_wait3A_126 : memref<128x256xf32, #tpu.memory_space<hbm>>)
      tpu.yield
    }) : () -> ()
    %mul3A_89 = arith.constant 1536 : i32
    %mul3A_90 = arith.muli %add3A, %mul3A_89 : i32
    %add3A_91 = arith.constant 1152 : i32
    %add3A_92 = arith.addi %mul3A_90, %add3A_91 : i32
    "tpu.region"() ({
      %run_scoped3A = tpu.sem_alloc : memref<!tpu.dma_semaphore, #tpu.memory_space<semaphore_mem>>
      %dma_start3A_119 = tpu.memref_slice %arg3[%add3A_92] : memref<49152xi32, #tpu.memory_space<hbm>> -> memref<128xi32, #tpu.memory_space<hbm>>
      %dma_start3A_120 = tpu.memref_slice %arg3[%add3A_92] : memref<49152xi32, #tpu.memory_space<hbm>> -> memref<128xi32, #tpu.memory_space<hbm>>
      tpu.enqueue_dma source(%dma_start3A_120 : memref<128xi32, #tpu.memory_space<hbm>>) target(%arg5 : memref<128xi32, #tpu.memory_space<vmem>>) target_semaphore(%run_scoped3A : memref<!tpu.dma_semaphore, #tpu.memory_space<semaphore_mem>>)
      %dma_wait3A_121 = tpu.memref_slice %arg3[%add3A_92] : memref<49152xi32, #tpu.memory_space<hbm>> -> memref<128xi32, #tpu.memory_space<hbm>>
      %dma_wait3A_122 = tpu.memref_slice %arg3[%add3A_92] : memref<49152xi32, #tpu.memory_space<hbm>> -> memref<128xi32, #tpu.memory_space<hbm>>
      tpu.wait_dma2 semaphore(%run_scoped3A : memref<!tpu.dma_semaphore, #tpu.memory_space<semaphore_mem>>) src(%dma_wait3A_122 : memref<128xi32, #tpu.memory_space<hbm>>) dst(%arg5 : memref<128xi32, #tpu.memory_space<vmem>>)
      tpu.yield
    }) : () -> ()
    %dma_start3A_93 = arith.constant 0 : i32
    %dma_start3A_94 = arith.constant 0 : i32
    %dma_start3A_95 = tpu.memref_slice %arg2[%dma_start3A_93, %dma_start3A_94] : memref<4096x256xf32, #tpu.memory_space<hbm>> -> memref<4096x256xf32, #tpu.memory_space<hbm>>
    tpu.enqueue_indirect_dma source(%dma_start3A_95 : memref<4096x256xf32, #tpu.memory_space<hbm>>) target(%arg6 : memref<128x256xf32, #tpu.memory_space<vmem>>) offsets(%arg5 : memref<128xi32, #tpu.memory_space<vmem>>) semaphore(%arg7 : memref<!tpu.dma_semaphore, #tpu.memory_space<semaphore_mem>>)
    %dma_wait3A_96 = arith.constant 0 : i32
    %dma_wait3A_97 = arith.constant 0 : i32
    %dma_wait3A_98 = tpu.memref_slice %arg2[%dma_wait3A_96, %dma_wait3A_97] : memref<4096x256xf32, #tpu.memory_space<hbm>> -> memref<4096x256xf32, #tpu.memory_space<hbm>>
    tpu.wait_indirect_dma semaphore(%arg7 : memref<!tpu.dma_semaphore, #tpu.memory_space<semaphore_mem>>) src(%dma_wait3A_98 : memref<4096x256xf32, #tpu.memory_space<hbm>>) dst(%arg6 : memref<128x256xf32, #tpu.memory_space<vmem>>)
    "tpu.region"() ({
      %run_scoped3A = tpu.sem_alloc : memref<!tpu.dma_semaphore, #tpu.memory_space<semaphore_mem>>
      %dma_start3A_119 = arith.constant 0 : i32
      %dma_start3A_120 = tpu.memref_slice %arg4[%add3A_92, %dma_start3A_119] : memref<49152x256xf32, #tpu.memory_space<hbm>> -> memref<128x256xf32, #tpu.memory_space<hbm>>
      %dma_start3A_121 = arith.constant 0 : i32
      %dma_start3A_122 = tpu.memref_slice %arg4[%add3A_92, %dma_start3A_121] : memref<49152x256xf32, #tpu.memory_space<hbm>> -> memref<128x256xf32, #tpu.memory_space<hbm>>
      tpu.enqueue_dma source(%arg6 : memref<128x256xf32, #tpu.memory_space<vmem>>) target(%dma_start3A_122 : memref<128x256xf32, #tpu.memory_space<hbm>>) target_semaphore(%run_scoped3A : memref<!tpu.dma_semaphore, #tpu.memory_space<semaphore_mem>>)
      %dma_wait3A_123 = arith.constant 0 : i32
      %dma_wait3A_124 = tpu.memref_slice %arg4[%add3A_92, %dma_wait3A_123] : memref<49152x256xf32, #tpu.memory_space<hbm>> -> memref<128x256xf32, #tpu.memory_space<hbm>>
      %dma_wait3A_125 = arith.constant 0 : i32
      %dma_wait3A_126 = tpu.memref_slice %arg4[%add3A_92, %dma_wait3A_125] : memref<49152x256xf32, #tpu.memory_space<hbm>> -> memref<128x256xf32, #tpu.memory_space<hbm>>
      tpu.wait_dma2 semaphore(%run_scoped3A : memref<!tpu.dma_semaphore, #tpu.memory_space<semaphore_mem>>) src(%arg6 : memref<128x256xf32, #tpu.memory_space<vmem>>) dst(%dma_wait3A_126 : memref<128x256xf32, #tpu.memory_space<hbm>>)
      tpu.yield
    }) : () -> ()
    %mul3A_99 = arith.constant 1536 : i32
    %mul3A_100 = arith.muli %add3A, %mul3A_99 : i32
    %add3A_101 = arith.constant 1280 : i32
    %add3A_102 = arith.addi %mul3A_100, %add3A_101 : i32
    "tpu.region"() ({
      %run_scoped3A = tpu.sem_alloc : memref<!tpu.dma_semaphore, #tpu.memory_space<semaphore_mem>>
      %dma_start3A_119 = tpu.memref_slice %arg3[%add3A_102] : memref<49152xi32, #tpu.memory_space<hbm>> -> memref<128xi32, #tpu.memory_space<hbm>>
      %dma_start3A_120 = tpu.memref_slice %arg3[%add3A_102] : memref<49152xi32, #tpu.memory_space<hbm>> -> memref<128xi32, #tpu.memory_space<hbm>>
      tpu.enqueue_dma source(%dma_start3A_120 : memref<128xi32, #tpu.memory_space<hbm>>) target(%arg5 : memref<128xi32, #tpu.memory_space<vmem>>) target_semaphore(%run_scoped3A : memref<!tpu.dma_semaphore, #tpu.memory_space<semaphore_mem>>)
      %dma_wait3A_121 = tpu.memref_slice %arg3[%add3A_102] : memref<49152xi32, #tpu.memory_space<hbm>> -> memref<128xi32, #tpu.memory_space<hbm>>
      %dma_wait3A_122 = tpu.memref_slice %arg3[%add3A_102] : memref<49152xi32, #tpu.memory_space<hbm>> -> memref<128xi32, #tpu.memory_space<hbm>>
      tpu.wait_dma2 semaphore(%run_scoped3A : memref<!tpu.dma_semaphore, #tpu.memory_space<semaphore_mem>>) src(%dma_wait3A_122 : memref<128xi32, #tpu.memory_space<hbm>>) dst(%arg5 : memref<128xi32, #tpu.memory_space<vmem>>)
      tpu.yield
    }) : () -> ()
    %dma_start3A_103 = arith.constant 0 : i32
    %dma_start3A_104 = arith.constant 0 : i32
    %dma_start3A_105 = tpu.memref_slice %arg2[%dma_start3A_103, %dma_start3A_104] : memref<4096x256xf32, #tpu.memory_space<hbm>> -> memref<4096x256xf32, #tpu.memory_space<hbm>>
    tpu.enqueue_indirect_dma source(%dma_start3A_105 : memref<4096x256xf32, #tpu.memory_space<hbm>>) target(%arg6 : memref<128x256xf32, #tpu.memory_space<vmem>>) offsets(%arg5 : memref<128xi32, #tpu.memory_space<vmem>>) semaphore(%arg7 : memref<!tpu.dma_semaphore, #tpu.memory_space<semaphore_mem>>)
    %dma_wait3A_106 = arith.constant 0 : i32
    %dma_wait3A_107 = arith.constant 0 : i32
    %dma_wait3A_108 = tpu.memref_slice %arg2[%dma_wait3A_106, %dma_wait3A_107] : memref<4096x256xf32, #tpu.memory_space<hbm>> -> memref<4096x256xf32, #tpu.memory_space<hbm>>
    tpu.wait_indirect_dma semaphore(%arg7 : memref<!tpu.dma_semaphore, #tpu.memory_space<semaphore_mem>>) src(%dma_wait3A_108 : memref<4096x256xf32, #tpu.memory_space<hbm>>) dst(%arg6 : memref<128x256xf32, #tpu.memory_space<vmem>>)
    "tpu.region"() ({
      %run_scoped3A = tpu.sem_alloc : memref<!tpu.dma_semaphore, #tpu.memory_space<semaphore_mem>>
      %dma_start3A_119 = arith.constant 0 : i32
      %dma_start3A_120 = tpu.memref_slice %arg4[%add3A_102, %dma_start3A_119] : memref<49152x256xf32, #tpu.memory_space<hbm>> -> memref<128x256xf32, #tpu.memory_space<hbm>>
      %dma_start3A_121 = arith.constant 0 : i32
      %dma_start3A_122 = tpu.memref_slice %arg4[%add3A_102, %dma_start3A_121] : memref<49152x256xf32, #tpu.memory_space<hbm>> -> memref<128x256xf32, #tpu.memory_space<hbm>>
      tpu.enqueue_dma source(%arg6 : memref<128x256xf32, #tpu.memory_space<vmem>>) target(%dma_start3A_122 : memref<128x256xf32, #tpu.memory_space<hbm>>) target_semaphore(%run_scoped3A : memref<!tpu.dma_semaphore, #tpu.memory_space<semaphore_mem>>)
      %dma_wait3A_123 = arith.constant 0 : i32
      %dma_wait3A_124 = tpu.memref_slice %arg4[%add3A_102, %dma_wait3A_123] : memref<49152x256xf32, #tpu.memory_space<hbm>> -> memref<128x256xf32, #tpu.memory_space<hbm>>
      %dma_wait3A_125 = arith.constant 0 : i32
      %dma_wait3A_126 = tpu.memref_slice %arg4[%add3A_102, %dma_wait3A_125] : memref<49152x256xf32, #tpu.memory_space<hbm>> -> memref<128x256xf32, #tpu.memory_space<hbm>>
      tpu.wait_dma2 semaphore(%run_scoped3A : memref<!tpu.dma_semaphore, #tpu.memory_space<semaphore_mem>>) src(%arg6 : memref<128x256xf32, #tpu.memory_space<vmem>>) dst(%dma_wait3A_126 : memref<128x256xf32, #tpu.memory_space<hbm>>)
      tpu.yield
    }) : () -> ()
    %mul3A_109 = arith.constant 1536 : i32
    %mul3A_110 = arith.muli %add3A, %mul3A_109 : i32
    %add3A_111 = arith.constant 1408 : i32
    %add3A_112 = arith.addi %mul3A_110, %add3A_111 : i32
    "tpu.region"() ({
      %run_scoped3A = tpu.sem_alloc : memref<!tpu.dma_semaphore, #tpu.memory_space<semaphore_mem>>
      %dma_start3A_119 = tpu.memref_slice %arg3[%add3A_112] : memref<49152xi32, #tpu.memory_space<hbm>> -> memref<128xi32, #tpu.memory_space<hbm>>
      %dma_start3A_120 = tpu.memref_slice %arg3[%add3A_112] : memref<49152xi32, #tpu.memory_space<hbm>> -> memref<128xi32, #tpu.memory_space<hbm>>
      tpu.enqueue_dma source(%dma_start3A_120 : memref<128xi32, #tpu.memory_space<hbm>>) target(%arg5 : memref<128xi32, #tpu.memory_space<vmem>>) target_semaphore(%run_scoped3A : memref<!tpu.dma_semaphore, #tpu.memory_space<semaphore_mem>>)
      %dma_wait3A_121 = tpu.memref_slice %arg3[%add3A_112] : memref<49152xi32, #tpu.memory_space<hbm>> -> memref<128xi32, #tpu.memory_space<hbm>>
      %dma_wait3A_122 = tpu.memref_slice %arg3[%add3A_112] : memref<49152xi32, #tpu.memory_space<hbm>> -> memref<128xi32, #tpu.memory_space<hbm>>
      tpu.wait_dma2 semaphore(%run_scoped3A : memref<!tpu.dma_semaphore, #tpu.memory_space<semaphore_mem>>) src(%dma_wait3A_122 : memref<128xi32, #tpu.memory_space<hbm>>) dst(%arg5 : memref<128xi32, #tpu.memory_space<vmem>>)
      tpu.yield
    }) : () -> ()
    %dma_start3A_113 = arith.constant 0 : i32
    %dma_start3A_114 = arith.constant 0 : i32
    %dma_start3A_115 = tpu.memref_slice %arg2[%dma_start3A_113, %dma_start3A_114] : memref<4096x256xf32, #tpu.memory_space<hbm>> -> memref<4096x256xf32, #tpu.memory_space<hbm>>
    tpu.enqueue_indirect_dma source(%dma_start3A_115 : memref<4096x256xf32, #tpu.memory_space<hbm>>) target(%arg6 : memref<128x256xf32, #tpu.memory_space<vmem>>) offsets(%arg5 : memref<128xi32, #tpu.memory_space<vmem>>) semaphore(%arg7 : memref<!tpu.dma_semaphore, #tpu.memory_space<semaphore_mem>>)
    %dma_wait3A_116 = arith.constant 0 : i32
    %dma_wait3A_117 = arith.constant 0 : i32
    %dma_wait3A_118 = tpu.memref_slice %arg2[%dma_wait3A_116, %dma_wait3A_117] : memref<4096x256xf32, #tpu.memory_space<hbm>> -> memref<4096x256xf32, #tpu.memory_space<hbm>>
    tpu.wait_indirect_dma semaphore(%arg7 : memref<!tpu.dma_semaphore, #tpu.memory_space<semaphore_mem>>) src(%dma_wait3A_118 : memref<4096x256xf32, #tpu.memory_space<hbm>>) dst(%arg6 : memref<128x256xf32, #tpu.memory_space<vmem>>)
    "tpu.region"() ({
      %run_scoped3A = tpu.sem_alloc : memref<!tpu.dma_semaphore, #tpu.memory_space<semaphore_mem>>
      %dma_start3A_119 = arith.constant 0 : i32
      %dma_start3A_120 = tpu.memref_slice %arg4[%add3A_112, %dma_start3A_119] : memref<49152x256xf32, #tpu.memory_space<hbm>> -> memref<128x256xf32, #tpu.memory_space<hbm>>
      %dma_start3A_121 = arith.constant 0 : i32
      %dma_start3A_122 = tpu.memref_slice %arg4[%add3A_112, %dma_start3A_121] : memref<49152x256xf32, #tpu.memory_space<hbm>> -> memref<128x256xf32, #tpu.memory_space<hbm>>
      tpu.enqueue_dma source(%arg6 : memref<128x256xf32, #tpu.memory_space<vmem>>) target(%dma_start3A_122 : memref<128x256xf32, #tpu.memory_space<hbm>>) target_semaphore(%run_scoped3A : memref<!tpu.dma_semaphore, #tpu.memory_space<semaphore_mem>>)
      %dma_wait3A_123 = arith.constant 0 : i32
      %dma_wait3A_124 = tpu.memref_slice %arg4[%add3A_112, %dma_wait3A_123] : memref<49152x256xf32, #tpu.memory_space<hbm>> -> memref<128x256xf32, #tpu.memory_space<hbm>>
      %dma_wait3A_125 = arith.constant 0 : i32
      %dma_wait3A_126 = tpu.memref_slice %arg4[%add3A_112, %dma_wait3A_125] : memref<49152x256xf32, #tpu.memory_space<hbm>> -> memref<128x256xf32, #tpu.memory_space<hbm>>
      tpu.wait_dma2 semaphore(%run_scoped3A : memref<!tpu.dma_semaphore, #tpu.memory_space<semaphore_mem>>) src(%arg6 : memref<128x256xf32, #tpu.memory_space<vmem>>) dst(%dma_wait3A_126 : memref<128x256xf32, #tpu.memory_space<hbm>>)
      tpu.yield
    }) : () -> ()
    return
  }
}

module attributes {stable_mosaic.version = 14 : i64} {
  func.func @_knn_body(%arg0: i32, %arg1: memref<3x4096xf32, #tpu.memory_space<vmem>>, %arg2: memref<256x3xf32, #tpu.memory_space<vmem>>, %arg3: memref<1x4096xi32, #tpu.memory_space<vmem>>, %arg4: memref<256x1xi32, #tpu.memory_space<vmem>>, %arg5: memref<256x3xi32, #tpu.memory_space<vmem>>, %arg6: memref<256x3xf32, #tpu.memory_space<vmem>>) attributes {dimension_semantics = [#tpu.dimension_semantics<arbitrary>], iteration_bounds = array<i64: 64>, scalar_prefetch = 0 : i64, scratch_operands = 0 : i64, tpu.core_type = #tpu.core_type<tc>, window_params = [{pipeline_mode = #tpu.pipeline_mode<synchronous>, transform_indices = @transform_0, window_bounds = array<i64: 3, 4096>}, {transform_indices = @transform_1, window_bounds = array<i64: 256, 3>}, {pipeline_mode = #tpu.pipeline_mode<synchronous>, transform_indices = @transform_2, window_bounds = array<i64: 1, 4096>}, {transform_indices = @transform_3, window_bounds = array<i64: 256, 1>}, {transform_indices = @transform_4, window_bounds = array<i64: 256, 3>}, {transform_indices = @transform_5, window_bounds = array<i64: 256, 3>}]} {
    %get3A = arith.constant 0 : index
    %get3A_0 = arith.constant 0 : index
    %get3A_1 = vector.load %arg2[%get3A, %get3A_0] : memref<256x3xf32, #tpu.memory_space<vmem>>, vector<256x3xf32>
    %get3A_2 = arith.constant 0 : index
    %get3A_3 = arith.constant 0 : index
    %get3A_4 = vector.load %arg1[%get3A_2, %get3A_3] : memref<3x4096xf32, #tpu.memory_space<vmem>>, vector<1x4096xf32>
    %get3A_5 = arith.constant 1 : index
    %get3A_6 = arith.constant 0 : index
    %get3A_7 = vector.load %arg1[%get3A_5, %get3A_6] : memref<3x4096xf32, #tpu.memory_space<vmem>>, vector<1x4096xf32>
    %get3A_8 = arith.constant 2 : index
    %get3A_9 = arith.constant 0 : index
    %get3A_10 = vector.load %arg1[%get3A_8, %get3A_9] : memref<3x4096xf32, #tpu.memory_space<vmem>>, vector<1x4096xf32>
    %slice3A = vector.extract_strided_slice %get3A_1 {offsets = [0, 0], sizes = [256, 1], strides = [1, 1]} : vector<256x3xf32> to vector<256x1xf32>
    %sub3A = vector.broadcast %slice3A : vector<256x1xf32> to vector<256x4096xf32>
    %sub3A_11 = vector.broadcast %get3A_4 : vector<1x4096xf32> to vector<256x4096xf32>
    %sub3A_12 = arith.subf %sub3A, %sub3A_11 : vector<256x4096xf32>
    %slice3A_13 = vector.extract_strided_slice %get3A_1 {offsets = [0, 1], sizes = [256, 1], strides = [1, 1]} : vector<256x3xf32> to vector<256x1xf32>
    %sub3A_14 = vector.broadcast %slice3A_13 : vector<256x1xf32> to vector<256x4096xf32>
    %sub3A_15 = vector.broadcast %get3A_7 : vector<1x4096xf32> to vector<256x4096xf32>
    %sub3A_16 = arith.subf %sub3A_14, %sub3A_15 : vector<256x4096xf32>
    %slice3A_17 = vector.extract_strided_slice %get3A_1 {offsets = [0, 2], sizes = [256, 1], strides = [1, 1]} : vector<256x3xf32> to vector<256x1xf32>
    %sub3A_18 = vector.broadcast %slice3A_17 : vector<256x1xf32> to vector<256x4096xf32>
    %sub3A_19 = vector.broadcast %get3A_10 : vector<1x4096xf32> to vector<256x4096xf32>
    %sub3A_20 = arith.subf %sub3A_18, %sub3A_19 : vector<256x4096xf32>
    %mul3A = arith.mulf %sub3A_12, %sub3A_12 : vector<256x4096xf32>
    %mul3A_21 = arith.mulf %sub3A_16, %sub3A_16 : vector<256x4096xf32>
    %add3A = arith.addf %mul3A, %mul3A_21 : vector<256x4096xf32>
    %mul3A_22 = arith.mulf %sub3A_20, %sub3A_20 : vector<256x4096xf32>
    %add3A_23 = arith.addf %add3A, %mul3A_22 : vector<256x4096xf32>
    %get3A_24 = arith.constant 0 : index
    %get3A_25 = arith.constant 0 : index
    %get3A_26 = vector.load %arg4[%get3A_24, %get3A_25] : memref<256x1xi32, #tpu.memory_space<vmem>>, vector<256x1xi32>
    %get3A_27 = arith.constant 0 : index
    %get3A_28 = arith.constant 0 : index
    %get3A_29 = vector.load %arg3[%get3A_27, %get3A_28] : memref<1x4096xi32, #tpu.memory_space<vmem>>, vector<1x4096xi32>
    %ne3A = vector.broadcast %get3A_26 : vector<256x1xi32> to vector<256x4096xi32>
    %ne3A_30 = vector.broadcast %get3A_29 : vector<1x4096xi32> to vector<256x4096xi32>
    %ne3A_31 = arith.cmpi ne, %ne3A, %ne3A_30 : vector<256x4096xi32>
    %jit3A = arith.constant 1.000000e+10 : f32
    %broadcast_in_dim3A = vector.broadcast %jit3A : f32 to vector<256x4096xf32>
    %select_n3A = arith.select %ne3A_31, %broadcast_in_dim3A, %add3A_23 : vector<256x4096xi1>, vector<256x4096xf32>
    %iota3A = tpu.iota {dimensions = array<i32: 1>} : vector<256x4096xi32>
    %reduce_min3A = arith.constant dense<0x7F800000> : vector<256xf32>
    %reduce_min3A_32 = vector.multi_reduction <minimumf>, %select_n3A, %reduce_min3A [1] : vector<256x4096xf32> to vector<256xf32>
    %broadcast_in_dim3A_33 = vector.shape_cast %reduce_min3A_32 : vector<256xf32> to vector<256x1xf32>
    %eq3A = vector.broadcast %broadcast_in_dim3A_33 : vector<256x1xf32> to vector<256x4096xf32>
    %eq3A_34 = arith.cmpf oeq, %select_n3A, %eq3A : vector<256x4096xf32>
    %jit3A_35 = arith.constant 1073741824 : i32
    %broadcast_in_dim3A_36 = vector.broadcast %jit3A_35 : i32 to vector<256x4096xi32>
    %select_n3A_37 = arith.select %eq3A_34, %iota3A, %broadcast_in_dim3A_36 : vector<256x4096xi1>, vector<256x4096xi32>
    %reduce_min3A_38 = arith.constant dense<2147483647> : vector<256xi32>
    %reduce_min3A_39 = vector.multi_reduction <minsi>, %select_n3A_37, %reduce_min3A_38 [1] : vector<256x4096xi32> to vector<256xi32>
    %broadcast_in_dim3A_40 = vector.shape_cast %reduce_min3A_39 : vector<256xi32> to vector<256x1xi32>
    %eq3A_41 = vector.broadcast %broadcast_in_dim3A_40 : vector<256x1xi32> to vector<256x4096xi32>
    %eq3A_42 = arith.cmpi eq, %iota3A, %eq3A_41 : vector<256x4096xi32>
    %jit3A_43 = arith.constant 1.000000e+10 : f32
    %broadcast_in_dim3A_44 = vector.broadcast %jit3A_43 : f32 to vector<256x4096xf32>
    %select_n3A_45 = arith.select %eq3A_42, %broadcast_in_dim3A_44, %select_n3A : vector<256x4096xi1>, vector<256x4096xf32>
    %reduce_min3A_46 = arith.constant dense<0x7F800000> : vector<256xf32>
    %reduce_min3A_47 = vector.multi_reduction <minimumf>, %select_n3A_45, %reduce_min3A_46 [1] : vector<256x4096xf32> to vector<256xf32>
    %broadcast_in_dim3A_48 = vector.shape_cast %reduce_min3A_47 : vector<256xf32> to vector<256x1xf32>
    %eq3A_49 = vector.broadcast %broadcast_in_dim3A_48 : vector<256x1xf32> to vector<256x4096xf32>
    %eq3A_50 = arith.cmpf oeq, %select_n3A_45, %eq3A_49 : vector<256x4096xf32>
    %jit3A_51 = arith.constant 1073741824 : i32
    %broadcast_in_dim3A_52 = vector.broadcast %jit3A_51 : i32 to vector<256x4096xi32>
    %select_n3A_53 = arith.select %eq3A_50, %iota3A, %broadcast_in_dim3A_52 : vector<256x4096xi1>, vector<256x4096xi32>
    %reduce_min3A_54 = arith.constant dense<2147483647> : vector<256xi32>
    %reduce_min3A_55 = vector.multi_reduction <minsi>, %select_n3A_53, %reduce_min3A_54 [1] : vector<256x4096xi32> to vector<256xi32>
    %broadcast_in_dim3A_56 = vector.shape_cast %reduce_min3A_55 : vector<256xi32> to vector<256x1xi32>
    %eq3A_57 = vector.broadcast %broadcast_in_dim3A_56 : vector<256x1xi32> to vector<256x4096xi32>
    %eq3A_58 = arith.cmpi eq, %iota3A, %eq3A_57 : vector<256x4096xi32>
    %jit3A_59 = arith.constant 1.000000e+10 : f32
    %broadcast_in_dim3A_60 = vector.broadcast %jit3A_59 : f32 to vector<256x4096xf32>
    %select_n3A_61 = arith.select %eq3A_58, %broadcast_in_dim3A_60, %select_n3A_45 : vector<256x4096xi1>, vector<256x4096xf32>
    %reduce_min3A_62 = arith.constant dense<0x7F800000> : vector<256xf32>
    %reduce_min3A_63 = vector.multi_reduction <minimumf>, %select_n3A_61, %reduce_min3A_62 [1] : vector<256x4096xf32> to vector<256xf32>
    %broadcast_in_dim3A_64 = vector.shape_cast %reduce_min3A_63 : vector<256xf32> to vector<256x1xf32>
    %eq3A_65 = vector.broadcast %broadcast_in_dim3A_64 : vector<256x1xf32> to vector<256x4096xf32>
    %eq3A_66 = arith.cmpf oeq, %select_n3A_61, %eq3A_65 : vector<256x4096xf32>
    %jit3A_67 = arith.constant 1073741824 : i32
    %broadcast_in_dim3A_68 = vector.broadcast %jit3A_67 : i32 to vector<256x4096xi32>
    %select_n3A_69 = arith.select %eq3A_66, %iota3A, %broadcast_in_dim3A_68 : vector<256x4096xi1>, vector<256x4096xi32>
    %reduce_min3A_70 = arith.constant dense<2147483647> : vector<256xi32>
    %reduce_min3A_71 = vector.multi_reduction <minsi>, %select_n3A_69, %reduce_min3A_70 [1] : vector<256x4096xi32> to vector<256xi32>
    %broadcast_in_dim3A_72 = vector.shape_cast %reduce_min3A_71 : vector<256xi32> to vector<256x1xi32>
    %max3A = arith.constant 1.000000e-16 : f32
    %max3A_73 = vector.broadcast %max3A : f32 to vector<256x1xf32>
    %max3A_74 = arith.maximumf %broadcast_in_dim3A_33, %max3A_73 : vector<256x1xf32>
    %div3A = arith.constant 1.000000e+00 : f32
    %div3A_75 = vector.broadcast %div3A : f32 to vector<256x1xf32>
    %div3A_76 = arith.divf %div3A_75, %max3A_74 : vector<256x1xf32>
    %max3A_77 = arith.constant 1.000000e-16 : f32
    %max3A_78 = vector.broadcast %max3A_77 : f32 to vector<256x1xf32>
    %max3A_79 = arith.maximumf %broadcast_in_dim3A_48, %max3A_78 : vector<256x1xf32>
    %div3A_80 = arith.constant 1.000000e+00 : f32
    %div3A_81 = vector.broadcast %div3A_80 : f32 to vector<256x1xf32>
    %div3A_82 = arith.divf %div3A_81, %max3A_79 : vector<256x1xf32>
    %max3A_83 = arith.constant 1.000000e-16 : f32
    %max3A_84 = vector.broadcast %max3A_83 : f32 to vector<256x1xf32>
    %max3A_85 = arith.maximumf %broadcast_in_dim3A_64, %max3A_84 : vector<256x1xf32>
    %div3A_86 = arith.constant 1.000000e+00 : f32
    %div3A_87 = vector.broadcast %div3A_86 : f32 to vector<256x1xf32>
    %div3A_88 = arith.divf %div3A_87, %max3A_85 : vector<256x1xf32>
    %add3A_89 = arith.addf %div3A_76, %div3A_82 : vector<256x1xf32>
    %add3A_90 = arith.addf %add3A_89, %div3A_88 : vector<256x1xf32>
    %concatenate3A = tpu.concatenate %broadcast_in_dim3A_40, %broadcast_in_dim3A_56, %broadcast_in_dim3A_72 in 1 : vector<256x1xi32>, vector<256x1xi32>, vector<256x1xi32> -> vector<256x3xi32>
    %swap3A = arith.constant 0 : index
    %swap3A_91 = arith.constant 0 : index
    %swap3A_92 = vector.load %arg5[%swap3A, %swap3A_91] : memref<256x3xi32, #tpu.memory_space<vmem>>, vector<256x3xi32>
    tpu.vector_store %arg5[%swap3A, %swap3A_91], %concatenate3A {strides = array<i32>} : memref<256x3xi32, #tpu.memory_space<vmem>>, vector<256x3xi32>,
    %div3A_93 = arith.divf %div3A_76, %add3A_90 : vector<256x1xf32>
    %div3A_94 = arith.divf %div3A_82, %add3A_90 : vector<256x1xf32>
    %div3A_95 = arith.divf %div3A_88, %add3A_90 : vector<256x1xf32>
    %concatenate3A_96 = tpu.concatenate %div3A_93, %div3A_94, %div3A_95 in 1 : vector<256x1xf32>, vector<256x1xf32>, vector<256x1xf32> -> vector<256x3xf32>
    %swap3A_97 = arith.constant 0 : index
    %swap3A_98 = arith.constant 0 : index
    %swap3A_99 = vector.load %arg6[%swap3A_97, %swap3A_98] : memref<256x3xf32, #tpu.memory_space<vmem>>, vector<256x3xf32>
    tpu.vector_store %arg6[%swap3A_97, %swap3A_98], %concatenate3A_96 {strides = array<i32>} : memref<256x3xf32, #tpu.memory_space<vmem>>, vector<256x3xf32>,
    return
  }
  func.func @transform_0(%arg0: i32) -> (i32, i32) {
    %c0_i32 = arith.constant 0 : i32
    %c0_i32_0 = arith.constant 0 : i32
    %c0_i32_1 = arith.constant 0 : i32
    return %c0_i32, %c0_i32_0 : i32, i32
  }
  func.func @transform_1(%arg0: i32) -> (i32, i32) {
    %c0_i32 = arith.constant 0 : i32
    %c0_i32_0 = arith.constant 0 : i32
    return %arg0, %c0_i32 : i32, i32
  }
  func.func @transform_2(%arg0: i32) -> (i32, i32) {
    %c0_i32 = arith.constant 0 : i32
    %c0_i32_0 = arith.constant 0 : i32
    %c0_i32_1 = arith.constant 0 : i32
    return %c0_i32, %c0_i32_0 : i32, i32
  }
  func.func @transform_3(%arg0: i32) -> (i32, i32) {
    %c0_i32 = arith.constant 0 : i32
    %c0_i32_0 = arith.constant 0 : i32
    return %arg0, %c0_i32 : i32, i32
  }
  func.func @transform_4(%arg0: i32) -> (i32, i32) {
    %c0_i32 = arith.constant 0 : i32
    %c0_i32_0 = arith.constant 0 : i32
    return %arg0, %c0_i32 : i32, i32
  }
  func.func @transform_5(%arg0: i32) -> (i32, i32) {
    %c0_i32 = arith.constant 0 : i32
    %c0_i32_0 = arith.constant 0 : i32
    return %arg0, %c0_i32 : i32, i32
  }
}

module attributes {stable_mosaic.version = 14 : i64} {
  func.func @_mlp_body(%arg0: i32, %arg1: memref<512x256xf32, #tpu.memory_space<vmem>>, %arg2: memref<512x256xf32, #tpu.memory_space<vmem>>, %arg3: memref<512x256xf32, #tpu.memory_space<vmem>>, %arg4: memref<512x3xf32, #tpu.memory_space<vmem>>, %arg5: memref<512x128xf32, #tpu.memory_space<vmem>>, %arg6: memref<256x256xf32, #tpu.memory_space<vmem>>, %arg7: memref<128x256xf32, #tpu.memory_space<vmem>>, %arg8: memref<1x256xf32, #tpu.memory_space<vmem>>, %arg9: memref<256x256xf32, #tpu.memory_space<vmem>>, %arg10: memref<1x256xf32, #tpu.memory_space<vmem>>, %arg11: memref<512x256xf32, #tpu.memory_space<vmem>>) attributes {dimension_semantics = [#tpu.dimension_semantics<arbitrary>], iteration_bounds = array<i64: 32>, scalar_prefetch = 0 : i64, scratch_operands = 0 : i64, tpu.core_type = #tpu.core_type<tc>, window_params = [{transform_indices = @transform_0, window_bounds = array<i64: 512, 256>}, {transform_indices = @transform_1, window_bounds = array<i64: 512, 256>}, {transform_indices = @transform_2, window_bounds = array<i64: 512, 256>}, {transform_indices = @transform_3, window_bounds = array<i64: 512, 3>}, {transform_indices = @transform_4, window_bounds = array<i64: 512, 128>}, {pipeline_mode = #tpu.pipeline_mode<synchronous>, transform_indices = @transform_5, window_bounds = array<i64: 256, 256>}, {pipeline_mode = #tpu.pipeline_mode<synchronous>, transform_indices = @transform_6, window_bounds = array<i64: 128, 256>}, {pipeline_mode = #tpu.pipeline_mode<synchronous>, transform_indices = @transform_7, window_bounds = array<i64: 1, 256>}, {pipeline_mode = #tpu.pipeline_mode<synchronous>, transform_indices = @transform_8, window_bounds = array<i64: 256, 256>}, {pipeline_mode = #tpu.pipeline_mode<synchronous>, transform_indices = @transform_9, window_bounds = array<i64: 1, 256>}, {transform_indices = @transform_10, window_bounds = array<i64: 512, 256>}]} {
    %get3A = arith.constant 0 : index
    %get3A_0 = arith.constant 0 : index
    %get3A_1 = vector.load %arg4[%get3A, %get3A_0] : memref<512x3xf32, #tpu.memory_space<vmem>>, vector<512x1xf32>
    %get3A_2 = arith.constant 0 : index
    %get3A_3 = arith.constant 0 : index
    %get3A_4 = vector.load %arg1[%get3A_2, %get3A_3] : memref<512x256xf32, #tpu.memory_space<vmem>>, vector<512x256xf32>
    %mul3A = vector.broadcast %get3A_1 : vector<512x1xf32> to vector<512x256xf32>
    %mul3A_5 = arith.mulf %mul3A, %get3A_4 : vector<512x256xf32>
    %get3A_6 = arith.constant 0 : index
    %get3A_7 = arith.constant 1 : index
    %get3A_8 = vector.load %arg4[%get3A_6, %get3A_7] : memref<512x3xf32, #tpu.memory_space<vmem>>, vector<512x1xf32>
    %get3A_9 = arith.constant 0 : index
    %get3A_10 = arith.constant 0 : index
    %get3A_11 = vector.load %arg2[%get3A_9, %get3A_10] : memref<512x256xf32, #tpu.memory_space<vmem>>, vector<512x256xf32>
    %mul3A_12 = vector.broadcast %get3A_8 : vector<512x1xf32> to vector<512x256xf32>
    %mul3A_13 = arith.mulf %mul3A_12, %get3A_11 : vector<512x256xf32>
    %add3A = arith.addf %mul3A_5, %mul3A_13 : vector<512x256xf32>
    %get3A_14 = arith.constant 0 : index
    %get3A_15 = arith.constant 2 : index
    %get3A_16 = vector.load %arg4[%get3A_14, %get3A_15] : memref<512x3xf32, #tpu.memory_space<vmem>>, vector<512x1xf32>
    %get3A_17 = arith.constant 0 : index
    %get3A_18 = arith.constant 0 : index
    %get3A_19 = vector.load %arg3[%get3A_17, %get3A_18] : memref<512x256xf32, #tpu.memory_space<vmem>>, vector<512x256xf32>
    %mul3A_20 = vector.broadcast %get3A_16 : vector<512x1xf32> to vector<512x256xf32>
    %mul3A_21 = arith.mulf %mul3A_20, %get3A_19 : vector<512x256xf32>
    %add3A_22 = arith.addf %add3A, %mul3A_21 : vector<512x256xf32>
    %get3A_23 = arith.constant 0 : index
    %get3A_24 = arith.constant 0 : index
    %get3A_25 = vector.load %arg6[%get3A_23, %get3A_24] : memref<256x256xf32, #tpu.memory_space<vmem>>, vector<256x256xf32>
    %dot_general3A = arith.constant dense<0.000000e+00> : vector<512x256xf32>
    %dot_general3A_26 = tpu.matmul %add3A_22, %get3A_25, %dot_general3A {dimension_numbers = #tpu.dot_dimension_numbers<[1], [0], [0], [1], [0, 0, 1, 1], [], []>, precision = #tpu.contract_precision<fp32>, transpose_lhs_hint = false} : vector<512x256xf32>, vector<256x256xf32>, vector<512x256xf32> -> vector<512x256xf32>
    %get3A_27 = arith.constant 0 : index
    %get3A_28 = arith.constant 0 : index
    %get3A_29 = vector.load %arg5[%get3A_27, %get3A_28] : memref<512x128xf32, #tpu.memory_space<vmem>>, vector<512x128xf32>
    %get3A_30 = arith.constant 0 : index
    %get3A_31 = arith.constant 0 : index
    %get3A_32 = vector.load %arg7[%get3A_30, %get3A_31] : memref<128x256xf32, #tpu.memory_space<vmem>>, vector<128x256xf32>
    %dot_general3A_33 = arith.constant dense<0.000000e+00> : vector<512x256xf32>
    %dot_general3A_34 = tpu.matmul %get3A_29, %get3A_32, %dot_general3A_33 {dimension_numbers = #tpu.dot_dimension_numbers<[1], [0], [0], [1], [0, 0, 1, 1], [], []>, precision = #tpu.contract_precision<fp32>, transpose_lhs_hint = false} : vector<512x128xf32>, vector<128x256xf32>, vector<512x256xf32> -> vector<512x256xf32>
    %add3A_35 = arith.addf %dot_general3A_26, %dot_general3A_34 : vector<512x256xf32>
    %get3A_36 = arith.constant 0 : index
    %get3A_37 = arith.constant 0 : index
    %get3A_38 = vector.load %arg8[%get3A_36, %get3A_37] : memref<1x256xf32, #tpu.memory_space<vmem>>, vector<1x256xf32>
    %add3A_39 = vector.broadcast %get3A_38 : vector<1x256xf32> to vector<512x256xf32>
    %add3A_40 = arith.addf %add3A_35, %add3A_39 : vector<512x256xf32>
    %max3A = arith.constant 0.000000e+00 : f32
    %max3A_41 = vector.broadcast %max3A : f32 to vector<512x256xf32>
    %max3A_42 = arith.maximumf %add3A_40, %max3A_41 : vector<512x256xf32>
    %get3A_43 = arith.constant 0 : index
    %get3A_44 = arith.constant 0 : index
    %get3A_45 = vector.load %arg9[%get3A_43, %get3A_44] : memref<256x256xf32, #tpu.memory_space<vmem>>, vector<256x256xf32>
    %dot_general3A_46 = arith.constant dense<0.000000e+00> : vector<512x256xf32>
    %dot_general3A_47 = tpu.matmul %max3A_42, %get3A_45, %dot_general3A_46 {dimension_numbers = #tpu.dot_dimension_numbers<[1], [0], [0], [1], [0, 0, 1, 1], [], []>, precision = #tpu.contract_precision<fp32>, transpose_lhs_hint = false} : vector<512x256xf32>, vector<256x256xf32>, vector<512x256xf32> -> vector<512x256xf32>
    %get3A_48 = arith.constant 0 : index
    %get3A_49 = arith.constant 0 : index
    %get3A_50 = vector.load %arg10[%get3A_48, %get3A_49] : memref<1x256xf32, #tpu.memory_space<vmem>>, vector<1x256xf32>
    %add3A_51 = vector.broadcast %get3A_50 : vector<1x256xf32> to vector<512x256xf32>
    %add3A_52 = arith.addf %dot_general3A_47, %add3A_51 : vector<512x256xf32>
    %swap3A = arith.constant 0 : index
    %swap3A_53 = arith.constant 0 : index
    %swap3A_54 = vector.load %arg11[%swap3A, %swap3A_53] : memref<512x256xf32, #tpu.memory_space<vmem>>, vector<512x256xf32>
    tpu.vector_store %arg11[%swap3A, %swap3A_53], %add3A_52 {strides = array<i32>} : memref<512x256xf32, #tpu.memory_space<vmem>>, vector<512x256xf32>,
    return
  }
  func.func @transform_0(%arg0: i32) -> (i32, i32) {
    %c0_i32 = arith.constant 0 : i32
    %c0_i32_0 = arith.constant 0 : i32
    return %arg0, %c0_i32 : i32, i32
  }
  func.func @transform_1(%arg0: i32) -> (i32, i32) {
    %add3A = arith.constant 32 : i32
    %add3A_0 = arith.addi %arg0, %add3A : i32
    %c0_i32 = arith.constant 0 : i32
    %c0_i32_1 = arith.constant 0 : i32
    return %add3A_0, %c0_i32 : i32, i32
  }
  func.func @transform_2(%arg0: i32) -> (i32, i32) {
    %add3A = arith.constant 64 : i32
    %add3A_0 = arith.addi %arg0, %add3A : i32
    %c0_i32 = arith.constant 0 : i32
    %c0_i32_1 = arith.constant 0 : i32
    return %add3A_0, %c0_i32 : i32, i32
  }
  func.func @transform_3(%arg0: i32) -> (i32, i32) {
    %c0_i32 = arith.constant 0 : i32
    %c0_i32_0 = arith.constant 0 : i32
    return %arg0, %c0_i32 : i32, i32
  }
  func.func @transform_4(%arg0: i32) -> (i32, i32) {
    %c0_i32 = arith.constant 0 : i32
    %c0_i32_0 = arith.constant 0 : i32
    return %arg0, %c0_i32 : i32, i32
  }
  func.func @transform_5(%arg0: i32) -> (i32, i32) {
    %c0_i32 = arith.constant 0 : i32
    %c0_i32_0 = arith.constant 0 : i32
    %c0_i32_1 = arith.constant 0 : i32
    return %c0_i32, %c0_i32_0 : i32, i32
  }
  func.func @transform_6(%arg0: i32) -> (i32, i32) {
    %c0_i32 = arith.constant 0 : i32
    %c0_i32_0 = arith.constant 0 : i32
    %c0_i32_1 = arith.constant 0 : i32
    return %c0_i32, %c0_i32_0 : i32, i32
  }
  func.func @transform_7(%arg0: i32) -> (i32, i32) {
    %c0_i32 = arith.constant 0 : i32
    %c0_i32_0 = arith.constant 0 : i32
    %c0_i32_1 = arith.constant 0 : i32
    return %c0_i32, %c0_i32_0 : i32, i32
  }
  func.func @transform_8(%arg0: i32) -> (i32, i32) {
    %c0_i32 = arith.constant 0 : i32
    %c0_i32_0 = arith.constant 0 : i32
    %c0_i32_1 = arith.constant 0 : i32
    return %c0_i32, %c0_i32_0 : i32, i32
  }
  func.func @transform_9(%arg0: i32) -> (i32, i32) {
    %c0_i32 = arith.constant 0 : i32
    %c0_i32_0 = arith.constant 0 : i32
    %c0_i32_1 = arith.constant 0 : i32
    return %c0_i32, %c0_i32_0 : i32, i32
  }
  func.func @transform_10(%arg0: i32) -> (i32, i32) {
    %c0_i32 = arith.constant 0 : i32
    %c0_i32_0 = arith.constant 0 : i32
    return %arg0, %c0_i32 : i32, i32
  }
}

</mosaic_0001>

<sc_bundles>
// kernel: kernel.5.cloned.1.call-start
scs
__scs_entry_jumppad:
0x0: {  	(pc) =	sbr.rel $0x88, $3  }
0x1: {  	(tag) =	ssettag $0x0;
	lr =	simm.s32 $0x1  }
0x2: {  	[smem:$0x3F97] =	sst lr;
	_ =	strace $0xD0000000  }
0x3: {  	_ = 	snop  }
0x4: {  	_ = 	snop  }
0x5: {  	_ = 	snop  }
0x6: {  	_ = 	snop  }
0x7: {  	_ = 	snop  }
__scs_overlays_trampoline_lowered:
0x8: {  	[smem:$0x3FA6] =	sst s0  }
0x9: {  	[smem:$0x3FA7] =	sst s1  }
0xa: {  	[smem:$0x3FA8] =	sst s2  }
0xb: {  	[smem:$0x3FA9] =	sst s3  }
0xc: {  	[smem:$0x3FAA] =	sst s4  }
0xd: {  	[smem:$0x3FAB] =	sst s5  }
0xe: {  	[smem:$0x3FAC] =	sst s6  }
0xf: {  	[smem:$0x3FAD] =	sst s7  }
0x10: {  	[smem:$0x3FAE] =	sst s8  }
0x11: {  	[smem:$0x3FAF] =	sst s9;
	s0 =	simm.s32 @!p0 $0x0  }
0x12: {  	s1 =	sld [smem:$0x3F95];
	s0 =	simm.s32 @p0 $0x1  }
0x13: {  	[smem:$0x3FB0] =	sst s0;
	s0 =	simm.s32 @!p1 $0x0  }
0x14: {  	s2 =	sld [smem:$0x3F94];
	s0 =	simm.s32 @p1 $0x1  }
0x15: {  	[smem:$0x3FB1] =	sst s0;
	s0 =	simm.s32 @!p2 $0x0  }
0x16: {  	s3 =	sld [smem:$0x3FDB];
	s0 =	simm.s32 @p2 $0x1  }
0x17: {  	s4 =	simm.s32 $0x1BF5;
	[smem:$0x3FB3] =	sst s0  }
0x18: {  	s0 =	sld [smem:$0x3F96];
	_ =	swait.ge [sflag:s4], $0x0  }
0x19: {  	s7 =	sld [smem:$0x3F97]  }
0x1a: {  	s8 =	sadd.s32 $0xFFFFE003, lr  }
0x1b: {  	s9 =	sadd.s32 $0xFFFFFEF7, lr;
	s5 =	simm.s32 $0xFFFFFFFF;
	p2 =	slt.u32 s8, $0xFFFFF086  }
0x1c: {  	p1 =	slt.u32 s9, $0xF7A;
	s5 =	simm.s32 @!p2 $0x0  }
0x1d: {  	s5 =	simm.s32 @p1 $0x1;
	p0 =	seq.s32 s7, s2  }
0x1e: {  	s7 =	smul.u32 @!p0 $0xF7A, s2;
	p2 =	seq.s32 @!p0 s5, $0x0  }
0x1f: {  	s9 =	smul.u32 $0xF7A, s1;
	s8 =	simm.s32 @!p0 $0x1BF5;
	p2 =	por !p2, p0  }
0x20: {  	[sflag:s8] =	ssyncset.s32 @!p0 $0xFFFFF086;
	s6 =	sadd.s32 @!p0 s3, s7;
	s7 =	simm.s32 @!p0 $0x108  }
0x21: {  	s3 =	sadd.s32 s3, s9;
	s6 =	sadd.s32 @!p0 $0x88, s6;
	s7 =	simm.s32 @p2 $0x1082  }
0x22: {  	[simem:s7], [sflag:s8] =	dma.local @!p0 [hbm:s6], $0xF7A  }
0x23: {  	s9 =	sor.u32 $0xD0000000, s2;
	s6 =	simm.s32 $0x108;
	_ =	swait.ge @!p0 [sflag:s8], $0x0  }
0x24: {  	s3 =	sadd.s32 $0x88, s3;
	s6 =	simm.s32 @!p1 $0x1082;
	[sflag:s4] =	ssyncset.s32 $0xFFFFF086  }
0x25: {  	[simem:s6], [sflag:s4] =	dma.local [hbm:s3], $0xF7A  }
0x26: {  	[smem:$0x3F97] =	sst s1;
	(tag) =	ssettag s2;
	_ =	strace s9  }
0x27: {  	s1 =	sld [smem:$0x3FA7]  }
0x28: {  	s2 =	sld [smem:$0x3FA8]  }
0x29: {  	s4 =	sld [smem:$0x3FAA]  }
0x2a: {  	p0 =	seq.s32 s5, $0x0;
	s5 =	sld [smem:$0x3FAB]  }
0x2b: {  	s6 =	sld [smem:$0x3FAC]  }
0x2c: {  	s7 =	sld [smem:$0x3FAD]  }
0x2d: {  	s3 =	simm.s32 $0x108;
	s8 =	sld [smem:$0x3FAE]  }
0x2e: {  	s3 =	simm.s32 @!p0 $0x1082;
	s9 =	sld [smem:$0x3FAF]  }
0x2f: {  	lr =	sadd.s32 s0, s3;
	s0 =	sld [smem:$0x3FA6]  }
0x30: {  	s3 =	sld [smem:$0x3FA9]  }
0x31: {  	[smem:$0x3FB2] =	sst s10  }
0x32: {  	s10 =	sld [smem:$0x3FB0];
	_ =	sdelay $0x3  }
0x33: {  	p0 =	seq.s32 s10, $0x1;
	s10 =	sld [smem:$0x3FB2];
	_ =	sdelay $0x3  }
0x34: {  	[smem:$0x3FB2] =	sst s10  }
0x35: {  	s10 =	sld [smem:$0x3FB1];
	_ =	sdelay $0x3  }
0x36: {  	p1 =	seq.s32 s10, $0x1;
	s10 =	sld [smem:$0x3FB2];
	_ =	sdelay $0x3  }
0x37: {  	[smem:$0x3FB2] =	sst s10  }
0x38: {  	s10 =	sld [smem:$0x3FB3]  }
0x39: {  	_ = 	snop;
	(pc) =	sbr.ind lr, $3  }
0x3a: {  	_ = 	snop  }
0x3b: {  	_ = 	snop  }
0x3c: {  	p2 =	seq.s32 s10, $0x1;
	s10 =	sld [smem:$0x3FB2]  }
0x3d: {  	_ =	shalt  }
0x3e: {  	_ =	shalt  }
0x3f: {  	_ =	shalt  }
0x40: {  	_ =	shalt  }
0x41: {  	_ =	shalt  }
0x42: {  	_ =	shalt  }
0x43: {  	_ =	shalt  }
0x44: {  	_ =	shalt  }
0x45: {  	_ =	shalt  }
0x46: {  	_ =	shalt  }
0x47: {  	_ =	shalt  }
0x48: {  	_ =	shalt  }
0x49: {  	_ =	shalt  }
0x4a: {  	_ =	shalt  }
0x4b: {  	_ =	shalt  }
0x4c: {  	_ =	shalt  }
0x4d: {  	_ =	shalt  }
0x4e: {  	_ =	shalt  }
0x4f: {  	_ =	shalt  }
0x50: {  	_ =	shalt  }
0x51: {  	_ =	shalt  }
0x52: {  	_ =	shalt  }
0x53: {  	_ =	shalt  }
0x54: {  	_ =	shalt  }
0x55: {  	_ =	shalt  }
0x56: {  	_ =	shalt  }
0x57: {  	_ =	shalt  }
0x58: {  	_ =	shalt  }
0x59: {  	_ =	shalt  }
0x5a: {  	_ =	shalt  }
0x5b: {  	_ =	shalt  }
0x5c: {  	_ =	shalt  }
0x5d: {  	_ =	shalt  }
0x5e: {  	_ =	shalt  }
0x5f: {  	_ =	shalt  }
0x60: {  	_ =	shalt  }
0x61: {  	_ =	shalt  }
0x62: {  	_ =	shalt  }
0x63: {  	_ =	shalt  }
0x64: {  	_ =	shalt  }
0x65: {  	_ =	shalt  }
0x66: {  	_ =	shalt  }
0x67: {  	_ =	shalt  }
0x68: {  	_ =	shalt  }
0x69: {  	_ =	shalt  }
0x6a: {  	_ =	shalt  }
0x6b: {  	_ =	shalt  }
0x6c: {  	_ =	shalt  }
0x6d: {  	_ =	shalt  }
0x6e: {  	_ =	shalt  }
0x6f: {  	_ =	shalt  }
0x70: {  	_ =	shalt  }
0x71: {  	_ =	shalt  }
0x72: {  	_ =	shalt  }
0x73: {  	_ =	shalt  }
0x74: {  	_ =	shalt  }
0x75: {  	_ =	shalt  }
0x76: {  	_ =	shalt  }
0x77: {  	_ =	shalt  }
0x78: {  	_ =	shalt  }
0x79: {  	_ =	shalt  }
0x7a: {  	_ =	shalt  }
0x7b: {  	_ =	shalt  }
0x7c: {  	_ =	shalt  }
0x7d: {  	_ =	shalt  }
0x7e: {  	_ =	shalt  }
0x7f: {  	_ =	shalt  }
0x80: {  	_ =	shalt  }
0x81: {  	_ =	shalt  }
0x82: {  	_ =	shalt  }
0x83: {  	_ =	shalt  }
0x84: {  	_ =	shalt  }
0x85: {  	_ =	shalt  }
0x86: {  	_ =	shalt  }
0x87: {  	_ =	shalt  }
.Lfunc_end0:
.L_simem_size_0:
called_computation_lowered:
.L_overlay_start_0:
0x88: {  	s2 =	sld [smem:$0x3FD9]  }
0x89: {  	s3 =	sld [smem:$0x3FFE];
	_ =	sdelay $0x1  }
0x8a: {  	s1 =	srdreg.scid  }
0x8b: {  	s0 =	sand.u32 $0x1, s1  }
0x8c: {  	s14 =	sshll.u32 s0, $0xA;
	s2 =	sadd.s32 s3, s2  }
0x8d: {  	s2 =	sadd.s32 s2, s14  }
0x8e: {  	[smem:$0x3FBE] =	sst s2  }
0x8f: {  	_ = 	snop  }
0x90: {  	s2 =	sld [smem:$0x3FD0];
	_ =	sdelay $0x2  }
0x91: {  	s4 =	simm.s32 $0xA;
	s5 =	simm.s32 $0x10;
	s15 =	sld [smem:$0x3FC9]  }
0x92: {  	[smem:s5], [sflag:s4] =	dma.local [hbm:s2], $0x1  }
0x93: {  	_ =	swait.eq [sflag:s4], $0x1  }
0x94: {  	[sflag:s4] =	ssyncset.done $0x0  }
0x95: {  	[sflag:s4] =	ssyncadd.s32 $0xFFFFFFFF  }
0x96: {  	s16 =	sld [smem:$0x11];
	(tm) =	ssettm $0x1  }
0x97: {  	s17 =	sld [smem:$0x3FFB];
	_ =	sdelay $0x3  }
0x98: {  	_ =	strace s17  }
0x99: {  	s4 =	sld [smem:$0x3FFC];
	_ =	sdelay $0x3  }
0x9a: {  	_ =	strace s4  }
0x9b: {  	s4 =	sld [smem:$0x3FFD];
	_ =	sdelay $0x3  }
0x9c: {  	_ =	strace s4  }
0x9d: {  	_ =	strace $0x8FFFFFFF  }
0x9e: {  	s18 =	sld [smem:$0x3FDB];
	_ =	sdelay $0x1  }
0x9f: {  	s19 =	simm.s32 $_scs_section_size  }
0xa0: {  	s6 =	simm.s32 $_size__tile_overlayer_lowered;
	s7 =	simm.s32 $_tile_overlayer_lowered  }
0xa1: {  	s22 =	simm.s32 $0x1BFF;
	s21 =	sshll.u32 s7, $0x1;
	s4 =	sadd.s32 s19, s18  }
0xa2: {  	s8 =	simm.s32 $0x0;
	s20 =	sshll.u32 s6, $0x1;
	s6 =	sadd.s32 s21, s4  }
0xa3: {  	[timem:s8], [sflag:s22] =	dma.local [hbm:s6], s20  }
0xa4: {  	_ =	swait.ge [sflag:s22], s20  }
0xa5: {  	s5 =	ssub.s32 $0x0, s20;
	[sflag:s22] =	ssyncset.done $0x0  }
0xa6: {  	[sflag:s22] =	ssyncadd.s32 s5;
	_ =	sdelay $0x1  }
0xa7: {  	s23 =	simm.s32 $0x1B8B  }
0xa8: {  	_ =	swait.ge [sflag:s23], $0x1  }
0xa9: {  	[sflag:s23] =	ssyncset.done $0x0  }
0xaa: {  	s25 =	simm.s32 $0x1B8E;
	s24 =	sld [smem:$0x3FFE];
	[sflag:s23] =	ssyncadd.s32 $0xFFFFFFFF  }
0xab: {  	s26 =	simm.s32 $execute0_lowered;
	[smem:$0x3FD2] =	sst s25  }
0xac: {  	s6 =	sshll.u32 s26, $0x1;
	_ =	strace $0x80000046;
	[dreg:$0x1] =	wrdreg $0xFFFFFFFF  }
0xad: {  	s28 =	simm.s32 $_size_execute0_lowered;
	s4 =	sadd.s32 s4, s6;
	[dreg:$0x0] =	wrdreg $0x0  }
0xae: {  	s6 =	sshll.u32 s28, $0x1;
	[dreg:$0x2] =	wrdreg s4  }
0xaf: {  	[dreg:$0x3] =	wrdreg s6  }
0xb0: {  	[dreg:$0x4] =	wrdreg $0xC0  }
0xb1: {  	_ =	task [dreg:s8], $0x5FFFF  }
0xb2: {  	[dreg:$0x1] =	wrdreg $0xFFFFFFFF  }
0xb3: {  	[dreg:$0x0] =	wrdreg $0x60  }
0xb4: {  	[dreg:$0x2] =	wrdreg s15  }
0xb5: {  	[dreg:$0x3] =	wrdreg s16  }
0xb6: {  	[dreg:$0x4] =	wrdreg s24  }
0xb7: {  	[dreg:$0x5] =	wrdreg $0x9  }
0xb8: {  	_ =	task.clear_ibuf [dreg:s8], $0x6FFFF;
	_ =	strace $0x90000046  }
0xb9: {  	s29 =	simm.s32 $0x9;
	_ =	strace $0x80000048  }
0xba: {  	_ =	swait.ge [sflag:s29], $0x1  }
0xbb: {  	[sflag:s29] =	ssyncadd.s32 $0xFFFFFFFF  }
0xbc: {  	_ =	strace $0x90000048  }
0xbd: {  	_ =	sfence  }
0xbe: {  	s30 =	sld [smem:$0x0];
	_ =	sdelay $0x2  }
0xbf: {  	s31 =	sshll.u32 s1, $0xD;
	s1 =	sshrl.u32 s1, $0x2  }
0xc0: {  	s3 =	sand.u32 $0x4000, s31;
	s1 =	sadd.s32 s1, s30  }
0xc1: {  	s0 =	sor.u32 s3, s0;
	s1 =	sshll.u32 s1, $0x11  }
0xc2: {  	s0 =	sor.u32 s1, s0  }
0xc3: {  	s0 =	sadd.s32 $0x8F2B, s0  }
0xc4: {  	[sflag:s0] =	ssyncadd.remote.s32 $0x1  }
0xc5: {  	_ =	sfence.sel $0xFFFF  }
0xc6: {  	[dreg:$0x0] =	wrdreg $0xFFFFFFFF;
	(pc) =	sbr.abs _section_cstart, $3  }
0xc7: {  	[dreg:$0x1] =	wrdreg $0xFFFFFFFF  }
0xc8: {  	_ =	task.clear_ibuf [dreg:s8], $0x2FFFF;
	_ =	strace $0x9FFFFFFF  }
0xc9: {  	(tm) =	ssettm $0x7FFFFFFF  }
tec
execute0_lowered:
.L_overlay_start_1:
0x0: {  	(tag) =	ssettag $0x1  }
0x1: {  	s1 =	rddreg [dreg:$0x0];
	s3 =	srdreg.scid  }
0x2: {  	s0 =	stileid.u32;
	s2 =	rddreg [dreg:$0x1]  }
0x3: {  	s5 =	rddreg [dreg:$0x2];
	s4 =	sand.u32 $0x1, s3;
	s25 =	sshll.u32 s0, $0x1  }
0x4: {  	s28 =	simm.s32 $0x6080;
	s29 =	simm.s32 $0x6880;
	s6 =	sor.u32 s4, s25  }
0x5: {  	s30 =	simm.s32 $0x7080;
	s3 =	simm.s32 $0x0;
	s10 =	smul.u32 $0x600, s6  }
0x6: {  	s31 =	simm.s32 $0x7880;
	[smem:$0x7FF] =	sst s3;
	s6 =	smul.u32 $0xC000, s6  }
0x7: {  	s12 =	sadd.s32 $0x1E00, s5;
	s4 =	ssub.s32 $0x2, s4;
	_ =	strace $0x80000047  }
0x8: {  	s7 =	sshrl.u32 s10, $0x3;
	s0 =	sor.u32 $0x80, s10;
	s8 =	sadd.s32 s12, s6  }
0x9: {  	s15 =	sor.u32 $0x100, s10;
	s17 =	sor.u32 $0x180, s10;
	s23 =	sadd.s32 $0x200, s10  }
0xa: {  	s25 =	sadd.s32 $0x280, s10;
	s26 =	sadd.s32 s2, s7;
	s9 =	sshrl.u32 s0, $0x3  }
0xb: {  	[dreg:$0x5] =	wrdreg s8;
	s13 =	sshll.u32 s0, $0x5;
	s16 =	sshrl.u32 s15, $0x3  }
0xc: {  	s6 =	sshll.u32 s15, $0x5;
	s19 =	sshrl.u32 s17, $0x3;
	s21 =	sshll.u32 s17, $0x5  }
0xd: {  	s24 =	sshrl.u32 s23, $0x3;
	[dreg:$0x4] =	wrdreg s26;
	s11 =	sadd.s32 s2, s9  }
0xe: {  	s0 =	sshrl.u32 s25, $0x3;
	s14 =	sadd.s32 s12, s13;
	[dreg:$0x6] =	wrdreg s11  }
0xf: {  	s5 =	sadd.s32 s2, s16;
	s18 =	sadd.s32 s12, s6;
	[dreg:$0x7] =	wrdreg s14  }
0x10: {  	s20 =	sadd.s32 s2, s19;
	s22 =	sadd.s32 s12, s21;
	[dreg:$0x8] =	wrdreg s5  }
0x11: {  	s6 =	sshll.u32 s23, $0x5;
	s8 =	sadd.s32 s2, s0;
	[dreg:$0x9] =	wrdreg s18  }
0x12: {  	s9 =	sshll.u32 s25, $0x5;
	s13 =	sadd.s32 $0x300, s10;
	[dreg:$0xa] =	wrdreg s20  }
0x13: {  	s23 =	sadd.s32 $0x480, s10;
	[dreg:$0xb] =	wrdreg s22;
	s5 =	sadd.s32 s2, s24  }
0x14: {  	s26 =	sadd.s32 s12, s6;
	[dreg:$0xe] =	wrdreg s8;
	s11 =	sadd.s32 s12, s9  }
0x15: {  	s14 =	sshrl.u32 s4, $0x1;
	s15 =	sshrl.u32 s13, $0x3;
	s6 =	sshll.u32 s13, $0x5  }
0x16: {  	s8 =	sadd.s32 $0x380, s10;
	s20 =	sadd.s32 $0x400, s10;
	[dreg:$0xc] =	wrdreg s5  }
0x17: {  	s24 =	sshrl.u32 s23, $0x3;
	s9 =	sshll.u32 s23, $0x5;
	[dreg:$0xd] =	wrdreg s26  }
0x18: {  	s23 =	simm.s32 $0x4080;
	[dreg:$0xf] =	wrdreg s11;
	s5 =	sadd.s32 s2, s15  }
0x19: {  	s16 =	sadd.s32 s12, s6;
	s17 =	sshrl.u32 s8, $0x3;
	s13 =	ssub.s32 s4, s14  }
0x1a: {  	s19 =	sshll.u32 s8, $0x5;
	s21 =	sshrl.u32 s20, $0x3;
	s22 =	sshll.u32 s20, $0x5  }
0x1b: {  	s11 =	sadd.s32 $0x500, s10;
	s7 =	sadd.s32 s2, s24;
	s8 =	sadd.s32 s12, s9  }
0x1c: {  	s14 =	sadd.s32 $0x580, s10;
	s15 =	simm.s32 $0x80;
	[dreg:$0x10] =	wrdreg s5  }
0x1d: {  	s20 =	simm.s32 $0x2880;
	s24 =	simm.s32 $0x4880;
	[dreg:$0x11] =	wrdreg s16  }
0x1e: {  	s18 =	sadd.s32 s2, s17;
	s4 =	sadd.s32 s12, s19;
	s5 =	sadd.s32 s2, s21  }
0x1f: {  	s6 =	sadd.s32 s12, s22;
	s25 =	sshrl.u32 s11, $0x3;
	s11 =	sshll.u32 s11, $0x5  }
0x20: {  	s26 =	sshrl.u32 s14, $0x3;
	s14 =	sshll.u32 s14, $0x5;
	s13 =	smax.u32 s13, $0x1  }
0x21: {  	s16 =	simm.s32 $0x880;
	s17 =	simm.s32 $0x1080;
	s19 =	simm.s32 $0x2080  }
0x22: {  	s21 =	simm.s32 $0x3080;
	s22 =	simm.s32 $0x3880;
	[dreg:$0x12] =	wrdreg s18  }
0x23: {  	v2 =	vlaneseq.u32;
	s9 =	sadd.s32 s2, s25;
	s10 =	sadd.s32 s12, s11;
	s11 =	sadd.s32 s2, s26  }
0x24: {  	vm0 =	vmmov $0xffff;
	v1 =	vshrl.u32 v2, $0x3;
	s12 =	sadd.s32 s12, s14;
	s14 =	simm.s32 $0x2;
	s18 =	simm.s32 $0x1880  }
0x25: {  	v0 =	vand.u32 $0x7, v2;
	v2 =	vor.u32 $0x8, v2;
	v1 =	vmul.u32 $0x8, v1;
	s25 =	simm.s32 $0x5080;
	s26 =	simm.s32 $0x5880;
	s2 =	simm.s32 $0x1  }
.LBB2_1:
0x26: {  	s0 =	rddreg [dreg:$0x4]  }
0x27: {  	[tilespmem:s3], [sflag:$0x2] =	stream.linear.gather [hbm4b:s0+s3], $0x80, $0x38;
	[tilespmem:$0x8080] =	vst v63  }
0x28: {  	_ =	swait.ge [sflag:s14], $0x80  }
0x29: {  	[sflag:s14] =	ssyncset.done $0x0  }
0x2a: {  	[sflag:s14] =	ssyncadd.s32 $0xFFFFFF80  }
0x2b: {  	v3 =	vld [tilespmem:$0x0];
	_ =	sdelay $0x4  }
0x2c: {  	v4 =	vshll.u32 v3, $0x1  }
0x2d: {  	v3 =	vand.u32 $0x7, v3;
	v4 =	vand.u32 $0xFFFFFFF0, v4  }
0x2e: {  	v3 =	vor.u32 v3, v4  }
0x2f: {  	v4 =	vperm.xlane v3, v0;
	_ =	sdelay $0x1  }
0x30: {  	v3 =	vperm.xlane v3, v2;
	v4 =	vadd.s32 v1, v4;
	_ =	sdelay $0x1  }
0x31: {  	v3 =	vadd.s32 v1, v3;
	_ =	sdelay $0x2  }
0x32: {  	[tilespmem:s15], [sflag:$0x1] =	stream.indirect_vreg.gather [hbm4b:s1+s3], $0x80, v4, vm0, $0xb8;
	[tilespmem:$0x8080] =	vst v63  }
0x33: {  	_ = 	snop  }
0x34: {  	[tilespmem:s16], [sflag:$0x1] =	stream.indirect_vreg.gather [hbm4b:s1+s3], $0x80, v3, vm0, $0xb8;
	[tilespmem:$0x8080] =	vst v63  }
0x35: {  	v3 =	vld [tilespmem:$0x10];
	_ =	sdelay $0x4  }
0x36: {  	v25 =	vshll.u32 v3, $0x1  }
0x37: {  	v3 =	vand.u32 $0x7, v3;
	v4 =	vand.u32 $0xFFFFFFF0, v25  }
0x38: {  	v3 =	vor.u32 v3, v4  }
0x39: {  	v4 =	vperm.xlane v3, v0;
	_ =	sdelay $0x1  }
0x3a: {  	v3 =	vperm.xlane v3, v2;
	v4 =	vadd.s32 v1, v4;
	_ =	sdelay $0x1  }
0x3b: {  	v3 =	vadd.s32 v1, v3;
	_ =	sdelay $0x2  }
0x3c: {  	[tilespmem:s17], [sflag:$0x1] =	stream.indirect_vreg.gather [hbm4b:s1+s3], $0x80, v4, vm0, $0xb8;
	[tilespmem:$0x8080] =	vst v63  }
0x3d: {  	_ = 	snop  }
0x3e: {  	[tilespmem:s18], [sflag:$0x1] =	stream.indirect_vreg.gather [hbm4b:s1+s3], $0x80, v3, vm0, $0xb8;
	[tilespmem:$0x8080] =	vst v63  }
0x3f: {  	v3 =	vld [tilespmem:$0x20];
	_ =	sdelay $0x4  }
0x40: {  	v26 =	vshll.u32 v3, $0x1  }
0x41: {  	v3 =	vand.u32 $0x7, v3;
	v4 =	vand.u32 $0xFFFFFFF0, v26  }
0x42: {  	v3 =	vor.u32 v3, v4  }
0x43: {  	v4 =	vperm.xlane v3, v0;
	_ =	sdelay $0x1  }
0x44: {  	v3 =	vperm.xlane v3, v2;
	v4 =	vadd.s32 v1, v4;
	_ =	sdelay $0x1  }
0x45: {  	v3 =	vadd.s32 v1, v3;
	_ =	sdelay $0x2  }
0x46: {  	[tilespmem:s19], [sflag:$0x1] =	stream.indirect_vreg.gather [hbm4b:s1+s3], $0x80, v4, vm0, $0xb8;
	[tilespmem:$0x8080] =	vst v63  }
0x47: {  	_ = 	snop  }
0x48: {  	[tilespmem:s20], [sflag:$0x1] =	stream.indirect_vreg.gather [hbm4b:s1+s3], $0x80, v3, vm0, $0xb8;
	[tilespmem:$0x8080] =	vst v63  }
0x49: {  	v3 =	vld [tilespmem:$0x30];
	_ =	sdelay $0x4  }
0x4a: {  	v27 =	vshll.u32 v3, $0x1  }
0x4b: {  	v3 =	vand.u32 $0x7, v3;
	v4 =	vand.u32 $0xFFFFFFF0, v27  }
0x4c: {  	v3 =	vor.u32 v3, v4  }
0x4d: {  	v4 =	vperm.xlane v3, v0;
	_ =	sdelay $0x1  }
0x4e: {  	v3 =	vperm.xlane v3, v2;
	v4 =	vadd.s32 v1, v4;
	_ =	sdelay $0x1  }
0x4f: {  	v3 =	vadd.s32 v1, v3;
	_ =	sdelay $0x2  }
0x50: {  	[tilespmem:s21], [sflag:$0x1] =	stream.indirect_vreg.gather [hbm4b:s1+s3], $0x80, v4, vm0, $0xb8;
	[tilespmem:$0x8080] =	vst v63  }
0x51: {  	_ = 	snop  }
0x52: {  	[tilespmem:s22], [sflag:$0x1] =	stream.indirect_vreg.gather [hbm4b:s1+s3], $0x80, v3, vm0, $0xb8;
	[tilespmem:$0x8080] =	vst v63  }
0x53: {  	v3 =	vld [tilespmem:$0x40];
	_ =	sdelay $0x4  }
0x54: {  	v28 =	vshll.u32 v3, $0x1  }
0x55: {  	v3 =	vand.u32 $0x7, v3;
	v4 =	vand.u32 $0xFFFFFFF0, v28  }
0x56: {  	v3 =	vor.u32 v3, v4  }
0x57: {  	v4 =	vperm.xlane v3, v0;
	_ =	sdelay $0x1  }
0x58: {  	v3 =	vperm.xlane v3, v2;
	v4 =	vadd.s32 v1, v4;
	_ =	sdelay $0x1  }
0x59: {  	v3 =	vadd.s32 v1, v3;
	_ =	sdelay $0x2  }
0x5a: {  	[tilespmem:s23], [sflag:$0x1] =	stream.indirect_vreg.gather [hbm4b:s1+s3], $0x80, v4, vm0, $0xb8;
	[tilespmem:$0x8080] =	vst v63  }
0x5b: {  	_ = 	snop  }
0x5c: {  	[tilespmem:s24], [sflag:$0x1] =	stream.indirect_vreg.gather [hbm4b:s1+s3], $0x80, v3, vm0, $0xb8;
	[tilespmem:$0x8080] =	vst v63  }
0x5d: {  	v3 =	vld [tilespmem:$0x50];
	_ =	sdelay $0x4  }
0x5e: {  	v29 =	vshll.u32 v3, $0x1  }
0x5f: {  	v3 =	vand.u32 $0x7, v3;
	v4 =	vand.u32 $0xFFFFFFF0, v29  }
0x60: {  	v3 =	vor.u32 v3, v4  }
0x61: {  	v4 =	vperm.xlane v3, v0;
	_ =	sdelay $0x1  }
0x62: {  	v3 =	vperm.xlane v3, v2;
	v4 =	vadd.s32 v1, v4;
	_ =	sdelay $0x1  }
0x63: {  	v3 =	vadd.s32 v1, v3;
	_ =	sdelay $0x2  }
0x64: {  	[tilespmem:s25], [sflag:$0x1] =	stream.indirect_vreg.gather [hbm4b:s1+s3], $0x80, v4, vm0, $0xb8;
	[tilespmem:$0x8080] =	vst v63  }
0x65: {  	_ = 	snop  }
0x66: {  	[tilespmem:s26], [sflag:$0x1] =	stream.indirect_vreg.gather [hbm4b:s1+s3], $0x80, v3, vm0, $0xb8;
	[tilespmem:$0x8080] =	vst v63  }
0x67: {  	v3 =	vld [tilespmem:$0x60];
	_ =	sdelay $0x4  }
0x68: {  	v30 =	vshll.u32 v3, $0x1  }
0x69: {  	v3 =	vand.u32 $0x7, v3;
	v4 =	vand.u32 $0xFFFFFFF0, v30  }
0x6a: {  	v3 =	vor.u32 v3, v4  }
0x6b: {  	v4 =	vperm.xlane v3, v0;
	_ =	sdelay $0x1  }
0x6c: {  	v3 =	vperm.xlane v3, v2;
	v4 =	vadd.s32 v1, v4;
	_ =	sdelay $0x1  }
0x6d: {  	v3 =	vadd.s32 v1, v3;
	_ =	sdelay $0x2  }
0x6e: {  	[tilespmem:s28], [sflag:$0x1] =	stream.indirect_vreg.gather [hbm4b:s1+s3], $0x80, v4, vm0, $0xb8;
	[tilespmem:$0x8080] =	vst v63  }
0x6f: {  	_ = 	snop  }
0x70: {  	[tilespmem:s29], [sflag:$0x1] =	stream.indirect_vreg.gather [hbm4b:s1+s3], $0x80, v3, vm0, $0xb8;
	[tilespmem:$0x8080] =	vst v63  }
0x71: {  	v3 =	vld [tilespmem:$0x70];
	_ =	sdelay $0x4  }
0x72: {  	v31 =	vshll.u32 v3, $0x1  }
0x73: {  	v3 =	vand.u32 $0x7, v3;
	v4 =	vand.u32 $0xFFFFFFF0, v31  }
0x74: {  	v3 =	vor.u32 v3, v4  }
0x75: {  	v4 =	vperm.xlane v3, v0;
	_ =	sdelay $0x1  }
0x76: {  	v3 =	vperm.xlane v3, v2;
	v4 =	vadd.s32 v1, v4;
	_ =	sdelay $0x1  }
0x77: {  	v3 =	vadd.s32 v1, v3;
	_ =	sdelay $0x2  }
0x78: {  	[tilespmem:s30], [sflag:$0x1] =	stream.indirect_vreg.gather [hbm4b:s1+s3], $0x80, v4, vm0, $0xb8;
	[tilespmem:$0x8080] =	vst v63  }
0x79: {  	_ = 	snop  }
0x7a: {  	[tilespmem:s31], [sflag:$0x1] =	stream.indirect_vreg.gather [hbm4b:s1+s3], $0x80, v3, vm0, $0xb8;
	[tilespmem:$0x8080] =	vst v63  }
0x7b: {  	_ =	swait.ge [sflag:s2], $0x8000  }
0x7c: {  	[sflag:s2] =	ssyncset.done $0x0  }
0x7d: {  	s0 =	rddreg [dreg:$0x5];
	[sflag:s2] =	ssyncadd.s32 $0xFFFF8000  }
0x7e: {  	[hbm4b:s0+s3] =	stream.linear.scatter [tilespmem:s15], [sflag:$0x2], $0x8000, $0x38;
	[tilespmem:$0x8080] =	vst v63  }
0x7f: {  	_ =	swait.ge [sflag:s14], $0x8000  }
0x80: {  	[sflag:s14] =	ssyncset.done $0x0  }
0x81: {  	s0 =	rddreg [dreg:$0x6];
	[sflag:s14] =	ssyncadd.s32 $0xFFFF8000  }
0x82: {  	[tilespmem:s3], [sflag:$0x2] =	stream.linear.gather [hbm4b:s0+s3], $0x80, $0x38;
	[tilespmem:$0x8080] =	vst v63  }
0x83: {  	_ =	swait.ge [sflag:s14], $0x80  }
0x84: {  	[sflag:s14] =	ssyncset.done $0x0  }
0x85: {  	[sflag:s14] =	ssyncadd.s32 $0xFFFFFF80  }
0x86: {  	v3 =	vld [tilespmem:$0x0];
	_ =	sdelay $0x4  }
0x87: {  	v32 =	vshll.u32 v3, $0x1  }
0x88: {  	v3 =	vand.u32 $0x7, v3;
	v4 =	vand.u32 $0xFFFFFFF0, v32  }
0x89: {  	v3 =	vor.u32 v3, v4  }
0x8a: {  	v4 =	vperm.xlane v3, v0;
	_ =	sdelay $0x1  }
0x8b: {  	v3 =	vperm.xlane v3, v2;
	v4 =	vadd.s32 v1, v4;
	_ =	sdelay $0x1  }
0x8c: {  	v3 =	vadd.s32 v1, v3;
	_ =	sdelay $0x2  }
0x8d: {  	[tilespmem:s15], [sflag:$0x1] =	stream.indirect_vreg.gather [hbm4b:s1+s3], $0x80, v4, vm0, $0xb8;
	[tilespmem:$0x8080] =	vst v63  }
0x8e: {  	_ = 	snop  }
0x8f: {  	[tilespmem:s16], [sflag:$0x1] =	stream.indirect_vreg.gather [hbm4b:s1+s3], $0x80, v3, vm0, $0xb8;
	[tilespmem:$0x8080] =	vst v63  }
0x90: {  	v3 =	vld [tilespmem:$0x10];
	_ =	sdelay $0x4  }
0x91: {  	v33 =	vshll.u32 v3, $0x1  }
0x92: {  	v3 =	vand.u32 $0x7, v3;
	v4 =	vand.u32 $0xFFFFFFF0, v33  }
0x93: {  	v3 =	vor.u32 v3, v4  }
0x94: {  	v4 =	vperm.xlane v3, v0;
	_ =	sdelay $0x1  }
0x95: {  	v3 =	vperm.xlane v3, v2;
	v4 =	vadd.s32 v1, v4;
	_ =	sdelay $0x1  }
0x96: {  	v3 =	vadd.s32 v1, v3;
	_ =	sdelay $0x2  }
0x97: {  	[tilespmem:s17], [sflag:$0x1] =	stream.indirect_vreg.gather [hbm4b:s1+s3], $0x80, v4, vm0, $0xb8;
	[tilespmem:$0x8080] =	vst v63  }
0x98: {  	_ = 	snop  }
0x99: {  	[tilespmem:s18], [sflag:$0x1] =	stream.indirect_vreg.gather [hbm4b:s1+s3], $0x80, v3, vm0, $0xb8;
	[tilespmem:$0x8080] =	vst v63  }
0x9a: {  	v3 =	vld [tilespmem:$0x20];
	_ =	sdelay $0x4  }
0x9b: {  	v34 =	vshll.u32 v3, $0x1  }
0x9c: {  	v3 =	vand.u32 $0x7, v3;
	v4 =	vand.u32 $0xFFFFFFF0, v34  }
0x9d: {  	v3 =	vor.u32 v3, v4  }
0x9e: {  	v4 =	vperm.xlane v3, v0;
	_ =	sdelay $0x1  }
0x9f: {  	v3 =	vperm.xlane v3, v2;
	v4 =	vadd.s32 v1, v4;
	_ =	sdelay $0x1  }
0xa0: {  	v3 =	vadd.s32 v1, v3;
	_ =	sdelay $0x2  }
0xa1: {  	[tilespmem:s19], [sflag:$0x1] =	stream.indirect_vreg.gather [hbm4b:s1+s3], $0x80, v4, vm0, $0xb8;
	[tilespmem:$0x8080] =	vst v63  }
0xa2: {  	_ = 	snop  }
0xa3: {  	[tilespmem:s20], [sflag:$0x1] =	stream.indirect_vreg.gather [hbm4b:s1+s3], $0x80, v3, vm0, $0xb8;
	[tilespmem:$0x8080] =	vst v63  }
0xa4: {  	v3 =	vld [tilespmem:$0x30];
	_ =	sdelay $0x4  }
0xa5: {  	v35 =	vshll.u32 v3, $0x1  }
0xa6: {  	v3 =	vand.u32 $0x7, v3;
	v4 =	vand.u32 $0xFFFFFFF0, v35  }
0xa7: {  	v3 =	vor.u32 v3, v4  }
0xa8: {  	v4 =	vperm.xlane v3, v0;
	_ =	sdelay $0x1  }
0xa9: {  	v3 =	vperm.xlane v3, v2;
	v4 =	vadd.s32 v1, v4;
	_ =	sdelay $0x1  }
0xaa: {  	v3 =	vadd.s32 v1, v3;
	_ =	sdelay $0x2  }
0xab: {  	[tilespmem:s21], [sflag:$0x1] =	stream.indirect_vreg.gather [hbm4b:s1+s3], $0x80, v4, vm0, $0xb8;
	[tilespmem:$0x8080] =	vst v63  }
0xac: {  	_ = 	snop  }
0xad: {  	[tilespmem:s22], [sflag:$0x1] =	stream.indirect_vreg.gather [hbm4b:s1+s3], $0x80, v3, vm0, $0xb8;
	[tilespmem:$0x8080] =	vst v63  }
0xae: {  	v3 =	vld [tilespmem:$0x40];
	_ =	sdelay $0x4  }
0xaf: {  	v36 =	vshll.u32 v3, $0x1  }
0xb0: {  	v3 =	vand.u32 $0x7, v3;
	v4 =	vand.u32 $0xFFFFFFF0, v36  }
0xb1: {  	v3 =	vor.u32 v3, v4  }
0xb2: {  	v4 =	vperm.xlane v3, v0;
	_ =	sdelay $0x1  }
0xb3: {  	v3 =	vperm.xlane v3, v2;
	v4 =	vadd.s32 v1, v4;
	_ =	sdelay $0x1  }
0xb4: {  	v3 =	vadd.s32 v1, v3;
	_ =	sdelay $0x2  }
0xb5: {  	[tilespmem:s23], [sflag:$0x1] =	stream.indirect_vreg.gather [hbm4b:s1+s3], $0x80, v4, vm0, $0xb8;
	[tilespmem:$0x8080] =	vst v63  }
0xb6: {  	_ = 	snop  }
0xb7: {  	[tilespmem:s24], [sflag:$0x1] =	stream.indirect_vreg.gather [hbm4b:s1+s3], $0x80, v3, vm0, $0xb8;
	[tilespmem:$0x8080] =	vst v63  }
0xb8: {  	v3 =	vld [tilespmem:$0x50];
	_ =	sdelay $0x4  }
0xb9: {  	v37 =	vshll.u32 v3, $0x1  }
0xba: {  	v3 =	vand.u32 $0x7, v3;
	v4 =	vand.u32 $0xFFFFFFF0, v37  }
0xbb: {  	v3 =	vor.u32 v3, v4  }
0xbc: {  	v4 =	vperm.xlane v3, v0;
	_ =	sdelay $0x1  }
0xbd: {  	v3 =	vperm.xlane v3, v2;
	v4 =	vadd.s32 v1, v4;
	_ =	sdelay $0x1  }
0xbe: {  	v3 =	vadd.s32 v1, v3;
	_ =	sdelay $0x2  }
0xbf: {  	[tilespmem:s25], [sflag:$0x1] =	stream.indirect_vreg.gather [hbm4b:s1+s3], $0x80, v4, vm0, $0xb8;
	[tilespmem:$0x8080] =	vst v63  }
0xc0: {  	_ = 	snop  }
0xc1: {  	[tilespmem:s26], [sflag:$0x1] =	stream.indirect_vreg.gather [hbm4b:s1+s3], $0x80, v3, vm0, $0xb8;
	[tilespmem:$0x8080] =	vst v63  }
0xc2: {  	v3 =	vld [tilespmem:$0x60];
	_ =	sdelay $0x4  }
0xc3: {  	v38 =	vshll.u32 v3, $0x1  }
0xc4: {  	v3 =	vand.u32 $0x7, v3;
	v4 =	vand.u32 $0xFFFFFFF0, v38  }
0xc5: {  	v3 =	vor.u32 v3, v4  }
0xc6: {  	v4 =	vperm.xlane v3, v0;
	_ =	sdelay $0x1  }
0xc7: {  	v3 =	vperm.xlane v3, v2;
	v4 =	vadd.s32 v1, v4;
	_ =	sdelay $0x1  }
0xc8: {  	v3 =	vadd.s32 v1, v3;
	_ =	sdelay $0x2  }
0xc9: {  	[tilespmem:s28], [sflag:$0x1] =	stream.indirect_vreg.gather [hbm4b:s1+s3], $0x80, v4, vm0, $0xb8;
	[tilespmem:$0x8080] =	vst v63  }
0xca: {  	_ = 	snop  }
0xcb: {  	[tilespmem:s29], [sflag:$0x1] =	stream.indirect_vreg.gather [hbm4b:s1+s3], $0x80, v3, vm0, $0xb8;
	[tilespmem:$0x8080] =	vst v63  }
0xcc: {  	v3 =	vld [tilespmem:$0x70];
	_ =	sdelay $0x4  }
0xcd: {  	v39 =	vshll.u32 v3, $0x1  }
0xce: {  	v3 =	vand.u32 $0x7, v3;
	v4 =	vand.u32 $0xFFFFFFF0, v39  }
0xcf: {  	v3 =	vor.u32 v3, v4  }
0xd0: {  	v4 =	vperm.xlane v3, v0;
	_ =	sdelay $0x1  }
0xd1: {  	v3 =	vperm.xlane v3, v2;
	v4 =	vadd.s32 v1, v4;
	_ =	sdelay $0x1  }
0xd2: {  	v3 =	vadd.s32 v1, v3;
	_ =	sdelay $0x2  }
0xd3: {  	[tilespmem:s30], [sflag:$0x1] =	stream.indirect_vreg.gather [hbm4b:s1+s3], $0x80, v4, vm0, $0xb8;
	[tilespmem:$0x8080] =	vst v63  }
0xd4: {  	_ = 	snop  }
0xd5: {  	[tilespmem:s31], [sflag:$0x1] =	stream.indirect_vreg.gather [hbm4b:s1+s3], $0x80, v3, vm0, $0xb8;
	[tilespmem:$0x8080] =	vst v63  }
0xd6: {  	_ =	swait.ge [sflag:s2], $0x8000  }
0xd7: {  	[sflag:s2] =	ssyncset.done $0x0  }
0xd8: {  	s0 =	rddreg [dreg:$0x7];
	[sflag:s2] =	ssyncadd.s32 $0xFFFF8000  }
0xd9: {  	[hbm4b:s0+s3] =	stream.linear.scatter [tilespmem:s15], [sflag:$0x2], $0x8000, $0x38;
	[tilespmem:$0x8080] =	vst v63  }
0xda: {  	_ =	swait.ge [sflag:s14], $0x8000  }
0xdb: {  	[sflag:s14] =	ssyncset.done $0x0  }
0xdc: {  	s0 =	rddreg [dreg:$0x8];
	[sflag:s14] =	ssyncadd.s32 $0xFFFF8000  }
0xdd: {  	[tilespmem:s3], [sflag:$0x2] =	stream.linear.gather [hbm4b:s0+s3], $0x80, $0x38;
	[tilespmem:$0x8080] =	vst v63  }
0xde: {  	_ =	swait.ge [sflag:s14], $0x80  }
0xdf: {  	[sflag:s14] =	ssyncset.done $0x0  }
0xe0: {  	[sflag:s14] =	ssyncadd.s32 $0xFFFFFF80  }
0xe1: {  	v3 =	vld [tilespmem:$0x0];
	_ =	sdelay $0x4  }
0xe2: {  	v40 =	vshll.u32 v3, $0x1  }
0xe3: {  	v3 =	vand.u32 $0x7, v3;
	v4 =	vand.u32 $0xFFFFFFF0, v40  }
0xe4: {  	v3 =	vor.u32 v3, v4  }
0xe5: {  	v4 =	vperm.xlane v3, v0;
	_ =	sdelay $0x1  }
0xe6: {  	v3 =	vperm.xlane v3, v2;
	v4 =	vadd.s32 v1, v4;
	_ =	sdelay $0x1  }
0xe7: {  	v3 =	vadd.s32 v1, v3;
	_ =	sdelay $0x2  }
0xe8: {  	[tilespmem:s15], [sflag:$0x1] =	stream.indirect_vreg.gather [hbm4b:s1+s3], $0x80, v4, vm0, $0xb8;
	[tilespmem:$0x8080] =	vst v63  }
0xe9: {  	_ = 	snop  }
0xea: {  	[tilespmem:s16], [sflag:$0x1] =	stream.indirect_vreg.gather [hbm4b:s1+s3], $0x80, v3, vm0, $0xb8;
	[tilespmem:$0x8080] =	vst v63  }
0xeb: {  	v3 =	vld [tilespmem:$0x10];
	_ =	sdelay $0x4  }
0xec: {  	v41 =	vshll.u32 v3, $0x1  }
0xed: {  	v3 =	vand.u32 $0x7, v3;
	v4 =	vand.u32 $0xFFFFFFF0, v41  }
0xee: {  	v3 =	vor.u32 v3, v4  }
0xef: {  	v4 =	vperm.xlane v3, v0;
	_ =	sdelay $0x1  }
0xf0: {  	v3 =	vperm.xlane v3, v2;
	v4 =	vadd.s32 v1, v4;
	_ =	sdelay $0x1  }
0xf1: {  	v3 =	vadd.s32 v1, v3;
	_ =	sdelay $0x2  }
0xf2: {  	[tilespmem:s17], [sflag:$0x1] =	stream.indirect_vreg.gather [hbm4b:s1+s3], $0x80, v4, vm0, $0xb8;
	[tilespmem:$0x8080] =	vst v63  }
0xf3: {  	_ = 	snop  }
0xf4: {  	[tilespmem:s18], [sflag:$0x1] =	stream.indirect_vreg.gather [hbm4b:s1+s3], $0x80, v3, vm0, $0xb8;
	[tilespmem:$0x8080] =	vst v63  }
0xf5: {  	v3 =	vld [tilespmem:$0x20];
	_ =	sdelay $0x4  }
0xf6: {  	v42 =	vshll.u32 v3, $0x1  }
0xf7: {  	v3 =	vand.u32 $0x7, v3;
	v4 =	vand.u32 $0xFFFFFFF0, v42  }
0xf8: {  	v3 =	vor.u32 v3, v4  }
0xf9: {  	v4 =	vperm.xlane v3, v0;
	_ =	sdelay $0x1  }
0xfa: {  	v3 =	vperm.xlane v3, v2;
	v4 =	vadd.s32 v1, v4;
	_ =	sdelay $0x1  }
0xfb: {  	v3 =	vadd.s32 v1, v3;
	_ =	sdelay $0x2  }
0xfc: {  	[tilespmem:s19], [sflag:$0x1] =	stream.indirect_vreg.gather [hbm4b:s1+s3], $0x80, v4, vm0, $0xb8;
	[tilespmem:$0x8080] =	vst v63  }
0xfd: {  	_ = 	snop  }
0xfe: {  	[tilespmem:s20], [sflag:$0x1] =	stream.indirect_vreg.gather [hbm4b:s1+s3], $0x80, v3, vm0, $0xb8;
	[tilespmem:$0x8080] =	vst v63  }
0xff: {  	v3 =	vld [tilespmem:$0x30];
	_ =	sdelay $0x4  }
0x100: {  	v43 =	vshll.u32 v3, $0x1  }
0x101: {  	v3 =	vand.u32 $0x7, v3;
	v4 =	vand.u32 $0xFFFFFFF0, v43  }
0x102: {  	v3 =	vor.u32 v3, v4  }
0x103: {  	v4 =	vperm.xlane v3, v0;
	_ =	sdelay $0x1  }
0x104: {  	v3 =	vperm.xlane v3, v2;
	v4 =	vadd.s32 v1, v4;
	_ =	sdelay $0x1  }
0x105: {  	v3 =	vadd.s32 v1, v3;
	_ =	sdelay $0x2  }
0x106: {  	[tilespmem:s21], [sflag:$0x1] =	stream.indirect_vreg.gather [hbm4b:s1+s3], $0x80, v4, vm0, $0xb8;
	[tilespmem:$0x8080] =	vst v63  }
0x107: {  	_ = 	snop  }
0x108: {  	[tilespmem:s22], [sflag:$0x1] =	stream.indirect_vreg.gather [hbm4b:s1+s3], $0x80, v3, vm0, $0xb8;
	[tilespmem:$0x8080] =	vst v63  }
0x109: {  	v3 =	vld [tilespmem:$0x40];
	_ =	sdelay $0x4  }
0x10a: {  	v44 =	vshll.u32 v3, $0x1  }
0x10b: {  	v3 =	vand.u32 $0x7, v3;
	v4 =	vand.u32 $0xFFFFFFF0, v44  }
0x10c: {  	v3 =	vor.u32 v3, v4  }
0x10d: {  	v4 =	vperm.xlane v3, v0;
	_ =	sdelay $0x1  }
0x10e: {  	v3 =	vperm.xlane v3, v2;
	v4 =	vadd.s32 v1, v4;
	_ =	sdelay $0x1  }
0x10f: {  	v3 =	vadd.s32 v1, v3;
	_ =	sdelay $0x2  }
0x110: {  	[tilespmem:s23], [sflag:$0x1] =	stream.indirect_vreg.gather [hbm4b:s1+s3], $0x80, v4, vm0, $0xb8;
	[tilespmem:$0x8080] =	vst v63  }
0x111: {  	_ = 	snop  }
0x112: {  	[tilespmem:s24], [sflag:$0x1] =	stream.indirect_vreg.gather [hbm4b:s1+s3], $0x80, v3, vm0, $0xb8;
	[tilespmem:$0x8080] =	vst v63  }
0x113: {  	v3 =	vld [tilespmem:$0x50];
	_ =	sdelay $0x4  }
0x114: {  	v45 =	vshll.u32 v3, $0x1  }
0x115: {  	v3 =	vand.u32 $0x7, v3;
	v4 =	vand.u32 $0xFFFFFFF0, v45  }
0x116: {  	v3 =	vor.u32 v3, v4  }
0x117: {  	v4 =	vperm.xlane v3, v0;
	_ =	sdelay $0x1  }
0x118: {  	v3 =	vperm.xlane v3, v2;
	v4 =	vadd.s32 v1, v4;
	_ =	sdelay $0x1  }
0x119: {  	v3 =	vadd.s32 v1, v3;
	_ =	sdelay $0x2  }
0x11a: {  	[tilespmem:s25], [sflag:$0x1] =	stream.indirect_vreg.gather [hbm4b:s1+s3], $0x80, v4, vm0, $0xb8;
	[tilespmem:$0x8080] =	vst v63  }
0x11b: {  	_ = 	snop  }
0x11c: {  	[tilespmem:s26], [sflag:$0x1] =	stream.indirect_vreg.gather [hbm4b:s1+s3], $0x80, v3, vm0, $0xb8;
	[tilespmem:$0x8080] =	vst v63  }
0x11d: {  	v3 =	vld [tilespmem:$0x60];
	_ =	sdelay $0x4  }
0x11e: {  	v46 =	vshll.u32 v3, $0x1  }
0x11f: {  	v3 =	vand.u32 $0x7, v3;
	v4 =	vand.u32 $0xFFFFFFF0, v46  }
0x120: {  	v3 =	vor.u32 v3, v4  }
0x121: {  	v4 =	vperm.xlane v3, v0;
	_ =	sdelay $0x1  }
0x122: {  	v3 =	vperm.xlane v3, v2;
	v4 =	vadd.s32 v1, v4;
	_ =	sdelay $0x1  }
0x123: {  	v3 =	vadd.s32 v1, v3;
	_ =	sdelay $0x2  }
0x124: {  	[tilespmem:s28], [sflag:$0x1] =	stream.indirect_vreg.gather [hbm4b:s1+s3], $0x80, v4, vm0, $0xb8;
	[tilespmem:$0x8080] =	vst v63  }
0x125: {  	_ = 	snop  }
0x126: {  	[tilespmem:s29], [sflag:$0x1] =	stream.indirect_vreg.gather [hbm4b:s1+s3], $0x80, v3, vm0, $0xb8;
	[tilespmem:$0x8080] =	vst v63  }
0x127: {  	v3 =	vld [tilespmem:$0x70];
	_ =	sdelay $0x4  }
0x128: {  	v47 =	vshll.u32 v3, $0x1  }
0x129: {  	v3 =	vand.u32 $0x7, v3;
	v4 =	vand.u32 $0xFFFFFFF0, v47  }
0x12a: {  	v3 =	vor.u32 v3, v4  }
0x12b: {  	v4 =	vperm.xlane v3, v0;
	_ =	sdelay $0x1  }
0x12c: {  	v3 =	vperm.xlane v3, v2;
	v4 =	vadd.s32 v1, v4;
	_ =	sdelay $0x1  }
0x12d: {  	v3 =	vadd.s32 v1, v3;
	_ =	sdelay $0x2  }
0x12e: {  	[tilespmem:s30], [sflag:$0x1] =	stream.indirect_vreg.gather [hbm4b:s1+s3], $0x80, v4, vm0, $0xb8;
	[tilespmem:$0x8080] =	vst v63  }
0x12f: {  	_ = 	snop  }
0x130: {  	[tilespmem:s31], [sflag:$0x1] =	stream.indirect_vreg.gather [hbm4b:s1+s3], $0x80, v3, vm0, $0xb8;
	[tilespmem:$0x8080] =	vst v63  }
0x131: {  	_ =	swait.ge [sflag:s2], $0x8000  }
0x132: {  	[sflag:s2] =	ssyncset.done $0x0  }
0x133: {  	s0 =	rddreg [dreg:$0x9];
	[sflag:s2] =	ssyncadd.s32 $0xFFFF8000  }
0x134: {  	[hbm4b:s0+s3] =	stream.linear.scatter [tilespmem:s15], [sflag:$0x2], $0x8000, $0x38;
	[tilespmem:$0x8080] =	vst v63  }
0x135: {  	_ =	swait.ge [sflag:s14], $0x8000  }
0x136: {  	[sflag:s14] =	ssyncset.done $0x0  }
0x137: {  	s0 =	rddreg [dreg:$0xa];
	[sflag:s14] =	ssyncadd.s32 $0xFFFF8000  }
0x138: {  	[tilespmem:s3], [sflag:$0x2] =	stream.linear.gather [hbm4b:s0+s3], $0x80, $0x38;
	[tilespmem:$0x8080] =	vst v63  }
0x139: {  	_ =	swait.ge [sflag:s14], $0x80  }
0x13a: {  	[sflag:s14] =	ssyncset.done $0x0  }
0x13b: {  	[sflag:s14] =	ssyncadd.s32 $0xFFFFFF80  }
0x13c: {  	v3 =	vld [tilespmem:$0x0];
	_ =	sdelay $0x4  }
0x13d: {  	v48 =	vshll.u32 v3, $0x1  }
0x13e: {  	v3 =	vand.u32 $0x7, v3;
	v4 =	vand.u32 $0xFFFFFFF0, v48  }
0x13f: {  	v3 =	vor.u32 v3, v4  }
0x140: {  	v4 =	vperm.xlane v3, v0;
	_ =	sdelay $0x1  }
0x141: {  	v3 =	vperm.xlane v3, v2;
	v4 =	vadd.s32 v1, v4;
	_ =	sdelay $0x1  }
0x142: {  	v3 =	vadd.s32 v1, v3;
	_ =	sdelay $0x2  }
0x143: {  	[tilespmem:s15], [sflag:$0x1] =	stream.indirect_vreg.gather [hbm4b:s1+s3], $0x80, v4, vm0, $0xb8;
	[tilespmem:$0x8080] =	vst v63  }
0x144: {  	_ = 	snop  }
0x145: {  	[tilespmem:s16], [sflag:$0x1] =	stream.indirect_vreg.gather [hbm4b:s1+s3], $0x80, v3, vm0, $0xb8;
	[tilespmem:$0x8080] =	vst v63  }
0x146: {  	v3 =	vld [tilespmem:$0x10];
	_ =	sdelay $0x4  }
0x147: {  	v49 =	vshll.u32 v3, $0x1  }
0x148: {  	v3 =	vand.u32 $0x7, v3;
	v4 =	vand.u32 $0xFFFFFFF0, v49  }
0x149: {  	v3 =	vor.u32 v3, v4  }
0x14a: {  	v4 =	vperm.xlane v3, v0;
	_ =	sdelay $0x1  }
0x14b: {  	v3 =	vperm.xlane v3, v2;
	v4 =	vadd.s32 v1, v4;
	_ =	sdelay $0x1  }
0x14c: {  	v3 =	vadd.s32 v1, v3;
	_ =	sdelay $0x2  }
0x14d: {  	[tilespmem:s17], [sflag:$0x1] =	stream.indirect_vreg.gather [hbm4b:s1+s3], $0x80, v4, vm0, $0xb8;
	[tilespmem:$0x8080] =	vst v63  }
0x14e: {  	_ = 	snop  }
0x14f: {  	[tilespmem:s18], [sflag:$0x1] =	stream.indirect_vreg.gather [hbm4b:s1+s3], $0x80, v3, vm0, $0xb8;
	[tilespmem:$0x8080] =	vst v63  }
0x150: {  	v3 =	vld [tilespmem:$0x20];
	_ =	sdelay $0x4  }
0x151: {  	v50 =	vshll.u32 v3, $0x1  }
0x152: {  	v3 =	vand.u32 $0x7, v3;
	v4 =	vand.u32 $0xFFFFFFF0, v50  }
0x153: {  	v3 =	vor.u32 v3, v4  }
0x154: {  	v4 =	vperm.xlane v3, v0;
	_ =	sdelay $0x1  }
0x155: {  	v3 =	vperm.xlane v3, v2;
	v4 =	vadd.s32 v1, v4;
	_ =	sdelay $0x1  }
0x156: {  	v3 =	vadd.s32 v1, v3;
	_ =	sdelay $0x2  }
0x157: {  	[tilespmem:s19], [sflag:$0x1] =	stream.indirect_vreg.gather [hbm4b:s1+s3], $0x80, v4, vm0, $0xb8;
	[tilespmem:$0x8080] =	vst v63  }
0x158: {  	_ = 	snop  }
0x159: {  	[tilespmem:s20], [sflag:$0x1] =	stream.indirect_vreg.gather [hbm4b:s1+s3], $0x80, v3, vm0, $0xb8;
	[tilespmem:$0x8080] =	vst v63  }
0x15a: {  	v3 =	vld [tilespmem:$0x30];
	_ =	sdelay $0x4  }
0x15b: {  	v51 =	vshll.u32 v3, $0x1  }
0x15c: {  	v3 =	vand.u32 $0x7, v3;
	v4 =	vand.u32 $0xFFFFFFF0, v51  }
0x15d: {  	v3 =	vor.u32 v3, v4  }
0x15e: {  	v4 =	vperm.xlane v3, v0;
	_ =	sdelay $0x1  }
0x15f: {  	v3 =	vperm.xlane v3, v2;
	v4 =	vadd.s32 v1, v4;
	_ =	sdelay $0x1  }
0x160: {  	v3 =	vadd.s32 v1, v3;
	_ =	sdelay $0x2  }
0x161: {  	[tilespmem:s21], [sflag:$0x1] =	stream.indirect_vreg.gather [hbm4b:s1+s3], $0x80, v4, vm0, $0xb8;
	[tilespmem:$0x8080] =	vst v63  }
0x162: {  	_ = 	snop  }
0x163: {  	[tilespmem:s22], [sflag:$0x1] =	stream.indirect_vreg.gather [hbm4b:s1+s3], $0x80, v3, vm0, $0xb8;
	[tilespmem:$0x8080] =	vst v63  }
0x164: {  	v3 =	vld [tilespmem:$0x40];
	_ =	sdelay $0x4  }
0x165: {  	v52 =	vshll.u32 v3, $0x1  }
0x166: {  	v3 =	vand.u32 $0x7, v3;
	v4 =	vand.u32 $0xFFFFFFF0, v52  }
0x167: {  	v3 =	vor.u32 v3, v4  }
0x168: {  	v4 =	vperm.xlane v3, v0;
	_ =	sdelay $0x1  }
0x169: {  	v3 =	vperm.xlane v3, v2;
	v4 =	vadd.s32 v1, v4;
	_ =	sdelay $0x1  }
0x16a: {  	v3 =	vadd.s32 v1, v3;
	_ =	sdelay $0x2  }
0x16b: {  	[tilespmem:s23], [sflag:$0x1] =	stream.indirect_vreg.gather [hbm4b:s1+s3], $0x80, v4, vm0, $0xb8;
	[tilespmem:$0x8080] =	vst v63  }
0x16c: {  	_ = 	snop  }
0x16d: {  	[tilespmem:s24], [sflag:$0x1] =	stream.indirect_vreg.gather [hbm4b:s1+s3], $0x80, v3, vm0, $0xb8;
	[tilespmem:$0x8080] =	vst v63  }
0x16e: {  	v3 =	vld [tilespmem:$0x50];
	_ =	sdelay $0x4  }
0x16f: {  	v53 =	vshll.u32 v3, $0x1  }
0x170: {  	v3 =	vand.u32 $0x7, v3;
	v4 =	vand.u32 $0xFFFFFFF0, v53  }
0x171: {  	v3 =	vor.u32 v3, v4  }
0x172: {  	v4 =	vperm.xlane v3, v0;
	_ =	sdelay $0x1  }
0x173: {  	v3 =	vperm.xlane v3, v2;
	v4 =	vadd.s32 v1, v4;
	_ =	sdelay $0x1  }
0x174: {  	v3 =	vadd.s32 v1, v3;
	_ =	sdelay $0x2  }
0x175: {  	[tilespmem:s25], [sflag:$0x1] =	stream.indirect_vreg.gather [hbm4b:s1+s3], $0x80, v4, vm0, $0xb8;
	[tilespmem:$0x8080] =	vst v63  }
0x176: {  	_ = 	snop  }
0x177: {  	[tilespmem:s26], [sflag:$0x1] =	stream.indirect_vreg.gather [hbm4b:s1+s3], $0x80, v3, vm0, $0xb8;
	[tilespmem:$0x8080] =	vst v63  }
0x178: {  	v3 =	vld [tilespmem:$0x60];
	_ =	sdelay $0x4  }
0x179: {  	v54 =	vshll.u32 v3, $0x1  }
0x17a: {  	v3 =	vand.u32 $0x7, v3;
	v4 =	vand.u32 $0xFFFFFFF0, v54  }
0x17b: {  	v3 =	vor.u32 v3, v4  }
0x17c: {  	v4 =	vperm.xlane v3, v0;
	_ =	sdelay $0x1  }
0x17d: {  	v3 =	vperm.xlane v3, v2;
	v4 =	vadd.s32 v1, v4;
	_ =	sdelay $0x1  }
0x17e: {  	v3 =	vadd.s32 v1, v3;
	_ =	sdelay $0x2  }
0x17f: {  	[tilespmem:s28], [sflag:$0x1] =	stream.indirect_vreg.gather [hbm4b:s1+s3], $0x80, v4, vm0, $0xb8;
	[tilespmem:$0x8080] =	vst v63  }
0x180: {  	_ = 	snop  }
0x181: {  	[tilespmem:s29], [sflag:$0x1] =	stream.indirect_vreg.gather [hbm4b:s1+s3], $0x80, v3, vm0, $0xb8;
	[tilespmem:$0x8080] =	vst v63  }
0x182: {  	v3 =	vld [tilespmem:$0x70];
	_ =	sdelay $0x4  }
0x183: {  	v55 =	vshll.u32 v3, $0x1  }
0x184: {  	v3 =	vand.u32 $0x7, v3;
	v4 =	vand.u32 $0xFFFFFFF0, v55  }
0x185: {  	v3 =	vor.u32 v3, v4  }
0x186: {  	v4 =	vperm.xlane v3, v0;
	_ =	sdelay $0x1  }
0x187: {  	v3 =	vperm.xlane v3, v2;
	v4 =	vadd.s32 v1, v4;
	_ =	sdelay $0x1  }
0x188: {  	v3 =	vadd.s32 v1, v3;
	_ =	sdelay $0x2  }
0x189: {  	[tilespmem:s30], [sflag:$0x1] =	stream.indirect_vreg.gather [hbm4b:s1+s3], $0x80, v4, vm0, $0xb8;
	[tilespmem:$0x8080] =	vst v63  }
0x18a: {  	_ = 	snop  }
0x18b: {  	[tilespmem:s31], [sflag:$0x1] =	stream.indirect_vreg.gather [hbm4b:s1+s3], $0x80, v3, vm0, $0xb8;
	[tilespmem:$0x8080] =	vst v63  }
0x18c: {  	_ =	swait.ge [sflag:s2], $0x8000  }
0x18d: {  	[sflag:s2] =	ssyncset.done $0x0  }
0x18e: {  	s0 =	rddreg [dreg:$0xb];
	[sflag:s2] =	ssyncadd.s32 $0xFFFF8000  }
0x18f: {  	[hbm4b:s0+s3] =	stream.linear.scatter [tilespmem:s15], [sflag:$0x2], $0x8000, $0x38;
	[tilespmem:$0x8080] =	vst v63  }
0x190: {  	_ =	swait.ge [sflag:s14], $0x8000  }
0x191: {  	[sflag:s14] =	ssyncset.done $0x0  }
0x192: {  	s0 =	rddreg [dreg:$0xc];
	[sflag:s14] =	ssyncadd.s32 $0xFFFF8000  }
0x193: {  	[tilespmem:s3], [sflag:$0x2] =	stream.linear.gather [hbm4b:s0+s3], $0x80, $0x38;
	[tilespmem:$0x8080] =	vst v63  }
0x194: {  	_ =	swait.ge [sflag:s14], $0x80  }
0x195: {  	[sflag:s14] =	ssyncset.done $0x0  }
0x196: {  	[sflag:s14] =	ssyncadd.s32 $0xFFFFFF80  }
0x197: {  	v3 =	vld [tilespmem:$0x0];
	_ =	sdelay $0x4  }
0x198: {  	v56 =	vshll.u32 v3, $0x1  }
0x199: {  	v3 =	vand.u32 $0x7, v3;
	v4 =	vand.u32 $0xFFFFFFF0, v56  }
0x19a: {  	v3 =	vor.u32 v3, v4  }
0x19b: {  	v4 =	vperm.xlane v3, v0;
	_ =	sdelay $0x1  }
0x19c: {  	v3 =	vperm.xlane v3, v2;
	v4 =	vadd.s32 v1, v4;
	_ =	sdelay $0x1  }
0x19d: {  	v3 =	vadd.s32 v1, v3;
	_ =	sdelay $0x2  }
0x19e: {  	[tilespmem:s15], [sflag:$0x1] =	stream.indirect_vreg.gather [hbm4b:s1+s3], $0x80, v4, vm0, $0xb8;
	[tilespmem:$0x8080] =	vst v63  }
0x19f: {  	_ = 	snop  }
0x1a0: {  	[tilespmem:s16], [sflag:$0x1] =	stream.indirect_vreg.gather [hbm4b:s1+s3], $0x80, v3, vm0, $0xb8;
	[tilespmem:$0x8080] =	vst v63  }
0x1a1: {  	v3 =	vld [tilespmem:$0x10];
	_ =	sdelay $0x4  }
0x1a2: {  	v57 =	vshll.u32 v3, $0x1  }
0x1a3: {  	v3 =	vand.u32 $0x7, v3;
	v4 =	vand.u32 $0xFFFFFFF0, v57  }
0x1a4: {  	v3 =	vor.u32 v3, v4  }
0x1a5: {  	v4 =	vperm.xlane v3, v0;
	_ =	sdelay $0x1  }
0x1a6: {  	v3 =	vperm.xlane v3, v2;
	v4 =	vadd.s32 v1, v4;
	_ =	sdelay $0x1  }
0x1a7: {  	v3 =	vadd.s32 v1, v3;
	_ =	sdelay $0x2  }
0x1a8: {  	[tilespmem:s17], [sflag:$0x1] =	stream.indirect_vreg.gather [hbm4b:s1+s3], $0x80, v4, vm0, $0xb8;
	[tilespmem:$0x8080] =	vst v63  }
0x1a9: {  	_ = 	snop  }
0x1aa: {  	[tilespmem:s18], [sflag:$0x1] =	stream.indirect_vreg.gather [hbm4b:s1+s3], $0x80, v3, vm0, $0xb8;
	[tilespmem:$0x8080] =	vst v63  }
0x1ab: {  	v3 =	vld [tilespmem:$0x20];
	_ =	sdelay $0x4  }
0x1ac: {  	v58 =	vshll.u32 v3, $0x1  }
0x1ad: {  	v3 =	vand.u32 $0x7, v3;
	v4 =	vand.u32 $0xFFFFFFF0, v58  }
0x1ae: {  	v3 =	vor.u32 v3, v4  }
0x1af: {  	v4 =	vperm.xlane v3, v0;
	_ =	sdelay $0x1  }
0x1b0: {  	v3 =	vperm.xlane v3, v2;
	v4 =	vadd.s32 v1, v4;
	_ =	sdelay $0x1  }
0x1b1: {  	v3 =	vadd.s32 v1, v3;
	_ =	sdelay $0x2  }
0x1b2: {  	[tilespmem:s19], [sflag:$0x1] =	stream.indirect_vreg.gather [hbm4b:s1+s3], $0x80, v4, vm0, $0xb8;
	[tilespmem:$0x8080] =	vst v63  }
0x1b3: {  	_ = 	snop  }
0x1b4: {  	[tilespmem:s20], [sflag:$0x1] =	stream.indirect_vreg.gather [hbm4b:s1+s3], $0x80, v3, vm0, $0xb8;
	[tilespmem:$0x8080] =	vst v63  }
0x1b5: {  	v3 =	vld [tilespmem:$0x30];
	_ =	sdelay $0x4  }
0x1b6: {  	v59 =	vshll.u32 v3, $0x1  }
0x1b7: {  	v3 =	vand.u32 $0x7, v3;
	v4 =	vand.u32 $0xFFFFFFF0, v59  }
0x1b8: {  	v3 =	vor.u32 v3, v4  }
0x1b9: {  	v4 =	vperm.xlane v3, v0;
	_ =	sdelay $0x1  }
0x1ba: {  	v3 =	vperm.xlane v3, v2;
	v4 =	vadd.s32 v1, v4;
	_ =	sdelay $0x1  }
0x1bb: {  	v3 =	vadd.s32 v1, v3;
	_ =	sdelay $0x2  }
0x1bc: {  	[tilespmem:s21], [sflag:$0x1] =	stream.indirect_vreg.gather [hbm4b:s1+s3], $0x80, v4, vm0, $0xb8;
	[tilespmem:$0x8080] =	vst v63  }
0x1bd: {  	_ = 	snop  }
0x1be: {  	[tilespmem:s22], [sflag:$0x1] =	stream.indirect_vreg.gather [hbm4b:s1+s3], $0x80, v3, vm0, $0xb8;
	[tilespmem:$0x8080] =	vst v63  }
0x1bf: {  	v3 =	vld [tilespmem:$0x40];
	_ =	sdelay $0x4  }
0x1c0: {  	v60 =	vshll.u32 v3, $0x1  }
0x1c1: {  	v3 =	vand.u32 $0x7, v3;
	v4 =	vand.u32 $0xFFFFFFF0, v60  }
0x1c2: {  	v3 =	vor.u32 v3, v4  }
0x1c3: {  	v4 =	vperm.xlane v3, v0;
	_ =	sdelay $0x1  }
0x1c4: {  	v3 =	vperm.xlane v3, v2;
	v4 =	vadd.s32 v1, v4;
	_ =	sdelay $0x1  }
0x1c5: {  	v3 =	vadd.s32 v1, v3;
	_ =	sdelay $0x2  }
0x1c6: {  	[tilespmem:s23], [sflag:$0x1] =	stream.indirect_vreg.gather [hbm4b:s1+s3], $0x80, v4, vm0, $0xb8;
	[tilespmem:$0x8080] =	vst v63  }
0x1c7: {  	_ = 	snop  }
0x1c8: {  	[tilespmem:s24], [sflag:$0x1] =	stream.indirect_vreg.gather [hbm4b:s1+s3], $0x80, v3, vm0, $0xb8;
	[tilespmem:$0x8080] =	vst v63  }
0x1c9: {  	v3 =	vld [tilespmem:$0x50];
	_ =	sdelay $0x4  }
0x1ca: {  	v61 =	vshll.u32 v3, $0x1  }
0x1cb: {  	v3 =	vand.u32 $0x7, v3;
	v4 =	vand.u32 $0xFFFFFFF0, v61  }
0x1cc: {  	v3 =	vor.u32 v3, v4  }
0x1cd: {  	v4 =	vperm.xlane v3, v0;
	_ =	sdelay $0x1  }
0x1ce: {  	v3 =	vperm.xlane v3, v2;
	v4 =	vadd.s32 v1, v4;
	_ =	sdelay $0x1  }
0x1cf: {  	v3 =	vadd.s32 v1, v3;
	_ =	sdelay $0x2  }
0x1d0: {  	[tilespmem:s25], [sflag:$0x1] =	stream.indirect_vreg.gather [hbm4b:s1+s3], $0x80, v4, vm0, $0xb8;
	[tilespmem:$0x8080] =	vst v63  }
0x1d1: {  	_ = 	snop  }
0x1d2: {  	[tilespmem:s26], [sflag:$0x1] =	stream.indirect_vreg.gather [hbm4b:s1+s3], $0x80, v3, vm0, $0xb8;
	[tilespmem:$0x8080] =	vst v63  }
0x1d3: {  	v3 =	vld [tilespmem:$0x60];
	_ =	sdelay $0x4  }
0x1d4: {  	v62 =	vshll.u32 v3, $0x1  }
0x1d5: {  	v3 =	vand.u32 $0x7, v3;
	v4 =	vand.u32 $0xFFFFFFF0, v62  }
0x1d6: {  	v3 =	vor.u32 v3, v4  }
0x1d7: {  	v4 =	vperm.xlane v3, v0;
	_ =	sdelay $0x1  }
0x1d8: {  	v3 =	vperm.xlane v3, v2;
	v4 =	vadd.s32 v1, v4;
	_ =	sdelay $0x1  }
0x1d9: {  	v3 =	vadd.s32 v1, v3;
	_ =	sdelay $0x2  }
0x1da: {  	[tilespmem:s28], [sflag:$0x1] =	stream.indirect_vreg.gather [hbm4b:s1+s3], $0x80, v4, vm0, $0xb8;
	[tilespmem:$0x8080] =	vst v63  }
0x1db: {  	_ = 	snop  }
0x1dc: {  	[tilespmem:s29], [sflag:$0x1] =	stream.indirect_vreg.gather [hbm4b:s1+s3], $0x80, v3, vm0, $0xb8;
	[tilespmem:$0x8080] =	vst v63  }
0x1dd: {  	v3 =	vld [tilespmem:$0x70];
	_ =	sdelay $0x4  }
0x1de: {  	v63 =	vshll.u32 v3, $0x1  }
0x1df: {  	v3 =	vand.u32 $0x7, v3;
	v4 =	vand.u32 $0xFFFFFFF0, v63  }
0x1e0: {  	v3 =	vor.u32 v3, v4  }
0x1e1: {  	v4 =	vperm.xlane v3, v0;
	_ =	sdelay $0x1  }
0x1e2: {  	v3 =	vperm.xlane v3, v2;
	v4 =	vadd.s32 v1, v4;
	_ =	sdelay $0x1  }
0x1e3: {  	v3 =	vadd.s32 v1, v3;
	_ =	sdelay $0x2  }
0x1e4: {  	[tilespmem:s30], [sflag:$0x1] =	stream.indirect_vreg.gather [hbm4b:s1+s3], $0x80, v4, vm0, $0xb8;
	[tilespmem:$0x8080] =	vst v63  }
0x1e5: {  	_ = 	snop  }
0x1e6: {  	[tilespmem:s31], [sflag:$0x1] =	stream.indirect_vreg.gather [hbm4b:s1+s3], $0x80, v3, vm0, $0xb8;
	[tilespmem:$0x8080] =	vst v63  }
0x1e7: {  	_ =	swait.ge [sflag:s2], $0x8000  }
0x1e8: {  	[sflag:s2] =	ssyncset.done $0x0  }
0x1e9: {  	s0 =	rddreg [dreg:$0xd];
	[sflag:s2] =	ssyncadd.s32 $0xFFFF8000  }
0x1ea: {  	[hbm4b:s0+s3] =	stream.linear.scatter [tilespmem:s15], [sflag:$0x2], $0x8000, $0x38;
	[tilespmem:$0x8080] =	vst v63  }
0x1eb: {  	_ =	swait.ge [sflag:s14], $0x8000  }
0x1ec: {  	[sflag:s14] =	ssyncset.done $0x0  }
0x1ed: {  	s0 =	rddreg [dreg:$0xe];
	[sflag:s14] =	ssyncadd.s32 $0xFFFF8000  }
0x1ee: {  	[tilespmem:s3], [sflag:$0x2] =	stream.linear.gather [hbm4b:s0+s3], $0x80, $0x38;
	[tilespmem:$0x8080] =	vst v63  }
0x1ef: {  	_ =	swait.ge [sflag:s14], $0x80  }
0x1f0: {  	[sflag:s14] =	ssyncset.done $0x0  }
0x1f1: {  	[sflag:s14] =	ssyncadd.s32 $0xFFFFFF80  }
0x1f2: {  	v3 =	vld [tilespmem:$0x0];
	_ =	sdelay $0x4  }
0x1f3: {  	v8 =	vshll.u32 v3, $0x1  }
0x1f4: {  	v3 =	vand.u32 $0x7, v3;
	v4 =	vand.u32 $0xFFFFFFF0, v8  }
0x1f5: {  	v3 =	vor.u32 v3, v4  }
0x1f6: {  	v4 =	vperm.xlane v3, v0;
	_ =	sdelay $0x1  }
0x1f7: {  	v3 =	vperm.xlane v3, v2;
	v4 =	vadd.s32 v1, v4;
	_ =	sdelay $0x1  }
0x1f8: {  	v3 =	vadd.s32 v1, v3;
	_ =	sdelay $0x2  }
0x1f9: {  	[tilespmem:s15], [sflag:$0x1] =	stream.indirect_vreg.gather [hbm4b:s1+s3], $0x80, v4, vm0, $0xb8;
	[tilespmem:$0x8080] =	vst v63  }
0x1fa: {  	_ = 	snop  }
0x1fb: {  	[tilespmem:s16], [sflag:$0x1] =	stream.indirect_vreg.gather [hbm4b:s1+s3], $0x80, v3, vm0, $0xb8;
	[tilespmem:$0x8080] =	vst v63  }
0x1fc: {  	v3 =	vld [tilespmem:$0x10];
	_ =	sdelay $0x4  }
0x1fd: {  	v9 =	vshll.u32 v3, $0x1  }
0x1fe: {  	v3 =	vand.u32 $0x7, v3;
	v4 =	vand.u32 $0xFFFFFFF0, v9  }
0x1ff: {  	v3 =	vor.u32 v3, v4  }
0x200: {  	v4 =	vperm.xlane v3, v0;
	_ =	sdelay $0x1  }
0x201: {  	v3 =	vperm.xlane v3, v2;
	v4 =	vadd.s32 v1, v4;
	_ =	sdelay $0x1  }
0x202: {  	v3 =	vadd.s32 v1, v3;
	_ =	sdelay $0x2  }
0x203: {  	[tilespmem:s17], [sflag:$0x1] =	stream.indirect_vreg.gather [hbm4b:s1+s3], $0x80, v4, vm0, $0xb8;
	[tilespmem:$0x8080] =	vst v63  }
0x204: {  	_ = 	snop  }
0x205: {  	[tilespmem:s18], [sflag:$0x1] =	stream.indirect_vreg.gather [hbm4b:s1+s3], $0x80, v3, vm0, $0xb8;
	[tilespmem:$0x8080] =	vst v63  }
0x206: {  	v3 =	vld [tilespmem:$0x20];
	_ =	sdelay $0x4  }
0x207: {  	v10 =	vshll.u32 v3, $0x1  }
0x208: {  	v3 =	vand.u32 $0x7, v3;
	v4 =	vand.u32 $0xFFFFFFF0, v10  }
0x209: {  	v3 =	vor.u32 v3, v4  }
0x20a: {  	v4 =	vperm.xlane v3, v0;
	_ =	sdelay $0x1  }
0x20b: {  	v3 =	vperm.xlane v3, v2;
	v4 =	vadd.s32 v1, v4;
	_ =	sdelay $0x1  }
0x20c: {  	v3 =	vadd.s32 v1, v3;
	_ =	sdelay $0x2  }
0x20d: {  	[tilespmem:s19], [sflag:$0x1] =	stream.indirect_vreg.gather [hbm4b:s1+s3], $0x80, v4, vm0, $0xb8;
	[tilespmem:$0x8080] =	vst v63  }
0x20e: {  	_ = 	snop  }
0x20f: {  	[tilespmem:s20], [sflag:$0x1] =	stream.indirect_vreg.gather [hbm4b:s1+s3], $0x80, v3, vm0, $0xb8;
	[tilespmem:$0x8080] =	vst v63  }
0x210: {  	v3 =	vld [tilespmem:$0x30];
	_ =	sdelay $0x4  }
0x211: {  	v11 =	vshll.u32 v3, $0x1  }
0x212: {  	v3 =	vand.u32 $0x7, v3;
	v4 =	vand.u32 $0xFFFFFFF0, v11  }
0x213: {  	v3 =	vor.u32 v3, v4  }
0x214: {  	v4 =	vperm.xlane v3, v0;
	_ =	sdelay $0x1  }
0x215: {  	v3 =	vperm.xlane v3, v2;
	v4 =	vadd.s32 v1, v4;
	_ =	sdelay $0x1  }
0x216: {  	v3 =	vadd.s32 v1, v3;
	_ =	sdelay $0x2  }
0x217: {  	[tilespmem:s21], [sflag:$0x1] =	stream.indirect_vreg.gather [hbm4b:s1+s3], $0x80, v4, vm0, $0xb8;
	[tilespmem:$0x8080] =	vst v63  }
0x218: {  	_ = 	snop  }
0x219: {  	[tilespmem:s22], [sflag:$0x1] =	stream.indirect_vreg.gather [hbm4b:s1+s3], $0x80, v3, vm0, $0xb8;
	[tilespmem:$0x8080] =	vst v63  }
0x21a: {  	v3 =	vld [tilespmem:$0x40];
	_ =	sdelay $0x4  }
0x21b: {  	v12 =	vshll.u32 v3, $0x1  }
0x21c: {  	v3 =	vand.u32 $0x7, v3;
	v4 =	vand.u32 $0xFFFFFFF0, v12  }
0x21d: {  	v3 =	vor.u32 v3, v4  }
0x21e: {  	v4 =	vperm.xlane v3, v0;
	_ =	sdelay $0x1  }
0x21f: {  	v3 =	vperm.xlane v3, v2;
	v4 =	vadd.s32 v1, v4;
	_ =	sdelay $0x1  }
0x220: {  	v3 =	vadd.s32 v1, v3;
	_ =	sdelay $0x2  }
0x221: {  	[tilespmem:s23], [sflag:$0x1] =	stream.indirect_vreg.gather [hbm4b:s1+s3], $0x80, v4, vm0, $0xb8;
	[tilespmem:$0x8080] =	vst v63  }
0x222: {  	_ = 	snop  }
0x223: {  	[tilespmem:s24], [sflag:$0x1] =	stream.indirect_vreg.gather [hbm4b:s1+s3], $0x80, v3, vm0, $0xb8;
	[tilespmem:$0x8080] =	vst v63  }
0x224: {  	v3 =	vld [tilespmem:$0x50];
	_ =	sdelay $0x4  }
0x225: {  	v13 =	vshll.u32 v3, $0x1  }
0x226: {  	v3 =	vand.u32 $0x7, v3;
	v4 =	vand.u32 $0xFFFFFFF0, v13  }
0x227: {  	v3 =	vor.u32 v3, v4  }
0x228: {  	v4 =	vperm.xlane v3, v0;
	_ =	sdelay $0x1  }
0x229: {  	v3 =	vperm.xlane v3, v2;
	v4 =	vadd.s32 v1, v4;
	_ =	sdelay $0x1  }
0x22a: {  	v3 =	vadd.s32 v1, v3;
	_ =	sdelay $0x2  }
0x22b: {  	[tilespmem:s25], [sflag:$0x1] =	stream.indirect_vreg.gather [hbm4b:s1+s3], $0x80, v4, vm0, $0xb8;
	[tilespmem:$0x8080] =	vst v63  }
0x22c: {  	_ = 	snop  }
0x22d: {  	[tilespmem:s26], [sflag:$0x1] =	stream.indirect_vreg.gather [hbm4b:s1+s3], $0x80, v3, vm0, $0xb8;
	[tilespmem:$0x8080] =	vst v63  }
0x22e: {  	v3 =	vld [tilespmem:$0x60];
	_ =	sdelay $0x4  }
0x22f: {  	v14 =	vshll.u32 v3, $0x1  }
0x230: {  	v3 =	vand.u32 $0x7, v3;
	v4 =	vand.u32 $0xFFFFFFF0, v14  }
0x231: {  	v3 =	vor.u32 v3, v4  }
0x232: {  	v4 =	vperm.xlane v3, v0;
	_ =	sdelay $0x1  }
0x233: {  	v3 =	vperm.xlane v3, v2;
	v4 =	vadd.s32 v1, v4;
	_ =	sdelay $0x1  }
0x234: {  	v3 =	vadd.s32 v1, v3;
	_ =	sdelay $0x2  }
0x235: {  	[tilespmem:s28], [sflag:$0x1] =	stream.indirect_vreg.gather [hbm4b:s1+s3], $0x80, v4, vm0, $0xb8;
	[tilespmem:$0x8080] =	vst v63  }
0x236: {  	_ = 	snop  }
0x237: {  	[tilespmem:s29], [sflag:$0x1] =	stream.indirect_vreg.gather [hbm4b:s1+s3], $0x80, v3, vm0, $0xb8;
	[tilespmem:$0x8080] =	vst v63  }
0x238: {  	v3 =	vld [tilespmem:$0x70];
	_ =	sdelay $0x4  }
0x239: {  	v15 =	vshll.u32 v3, $0x1  }
0x23a: {  	v3 =	vand.u32 $0x7, v3;
	v4 =	vand.u32 $0xFFFFFFF0, v15  }
0x23b: {  	v3 =	vor.u32 v3, v4  }
0x23c: {  	v4 =	vperm.xlane v3, v0;
	_ =	sdelay $0x1  }
0x23d: {  	v3 =	vperm.xlane v3, v2;
	v4 =	vadd.s32 v1, v4;
	_ =	sdelay $0x1  }
0x23e: {  	v3 =	vadd.s32 v1, v3;
	_ =	sdelay $0x2  }
0x23f: {  	[tilespmem:s30], [sflag:$0x1] =	stream.indirect_vreg.gather [hbm4b:s1+s3], $0x80, v4, vm0, $0xb8;
	[tilespmem:$0x8080] =	vst v63  }
0x240: {  	_ = 	snop  }
0x241: {  	[tilespmem:s31], [sflag:$0x1] =	stream.indirect_vreg.gather [hbm4b:s1+s3], $0x80, v3, vm0, $0xb8;
	[tilespmem:$0x8080] =	vst v63  }
0x242: {  	_ =	swait.ge [sflag:s2], $0x8000  }
0x243: {  	[sflag:s2] =	ssyncset.done $0x0  }
0x244: {  	s0 =	rddreg [dreg:$0xf];
	[sflag:s2] =	ssyncadd.s32 $0xFFFF8000  }
0x245: {  	[hbm4b:s0+s3] =	stream.linear.scatter [tilespmem:s15], [sflag:$0x2], $0x8000, $0x38;
	[tilespmem:$0x8080] =	vst v63  }
0x246: {  	_ =	swait.ge [sflag:s14], $0x8000  }
0x247: {  	[sflag:s14] =	ssyncset.done $0x0  }
0x248: {  	s0 =	rddreg [dreg:$0x10];
	[sflag:s14] =	ssyncadd.s32 $0xFFFF8000  }
0x249: {  	[tilespmem:s3], [sflag:$0x2] =	stream.linear.gather [hbm4b:s0+s3], $0x80, $0x38;
	[tilespmem:$0x8080] =	vst v63  }
0x24a: {  	_ =	swait.ge [sflag:s14], $0x80  }
0x24b: {  	[sflag:s14] =	ssyncset.done $0x0  }
0x24c: {  	[sflag:s14] =	ssyncadd.s32 $0xFFFFFF80  }
0x24d: {  	v3 =	vld [tilespmem:$0x0];
	_ =	sdelay $0x4  }
0x24e: {  	v16 =	vshll.u32 v3, $0x1  }
0x24f: {  	v3 =	vand.u32 $0x7, v3;
	v4 =	vand.u32 $0xFFFFFFF0, v16  }
0x250: {  	v3 =	vor.u32 v3, v4  }
0x251: {  	v4 =	vperm.xlane v3, v0;
	_ =	sdelay $0x1  }
0x252: {  	v3 =	vperm.xlane v3, v2;
	v4 =	vadd.s32 v1, v4;
	_ =	sdelay $0x1  }
0x253: {  	v3 =	vadd.s32 v1, v3;
	_ =	sdelay $0x2  }
0x254: {  	[tilespmem:s15], [sflag:$0x1] =	stream.indirect_vreg.gather [hbm4b:s1+s3], $0x80, v4, vm0, $0xb8;
	[tilespmem:$0x8080] =	vst v63  }
0x255: {  	_ = 	snop  }
0x256: {  	[tilespmem:s16], [sflag:$0x1] =	stream.indirect_vreg.gather [hbm4b:s1+s3], $0x80, v3, vm0, $0xb8;
	[tilespmem:$0x8080] =	vst v63  }
0x257: {  	v3 =	vld [tilespmem:$0x10];
	_ =	sdelay $0x4  }
0x258: {  	v17 =	vshll.u32 v3, $0x1  }
0x259: {  	v3 =	vand.u32 $0x7, v3;
	v4 =	vand.u32 $0xFFFFFFF0, v17  }
0x25a: {  	v3 =	vor.u32 v3, v4  }
0x25b: {  	v4 =	vperm.xlane v3, v0;
	_ =	sdelay $0x1  }
0x25c: {  	v3 =	vperm.xlane v3, v2;
	v4 =	vadd.s32 v1, v4;
	_ =	sdelay $0x1  }
0x25d: {  	v3 =	vadd.s32 v1, v3;
	_ =	sdelay $0x2  }
0x25e: {  	[tilespmem:s17], [sflag:$0x1] =	stream.indirect_vreg.gather [hbm4b:s1+s3], $0x80, v4, vm0, $0xb8;
	[tilespmem:$0x8080] =	vst v63  }
0x25f: {  	_ = 	snop  }
0x260: {  	[tilespmem:s18], [sflag:$0x1] =	stream.indirect_vreg.gather [hbm4b:s1+s3], $0x80, v3, vm0, $0xb8;
	[tilespmem:$0x8080] =	vst v63  }
0x261: {  	v3 =	vld [tilespmem:$0x20];
	_ =	sdelay $0x4  }
0x262: {  	v18 =	vshll.u32 v3, $0x1  }
0x263: {  	v3 =	vand.u32 $0x7, v3;
	v4 =	vand.u32 $0xFFFFFFF0, v18  }
0x264: {  	v3 =	vor.u32 v3, v4  }
0x265: {  	v4 =	vperm.xlane v3, v0;
	_ =	sdelay $0x1  }
0x266: {  	v3 =	vperm.xlane v3, v2;
	v4 =	vadd.s32 v1, v4;
	_ =	sdelay $0x1  }
0x267: {  	v3 =	vadd.s32 v1, v3;
	_ =	sdelay $0x2  }
0x268: {  	[tilespmem:s19], [sflag:$0x1] =	stream.indirect_vreg.gather [hbm4b:s1+s3], $0x80, v4, vm0, $0xb8;
	[tilespmem:$0x8080] =	vst v63  }
0x269: {  	_ = 	snop  }
0x26a: {  	[tilespmem:s20], [sflag:$0x1] =	stream.indirect_vreg.gather [hbm4b:s1+s3], $0x80, v3, vm0, $0xb8;
	[tilespmem:$0x8080] =	vst v63  }
0x26b: {  	v3 =	vld [tilespmem:$0x30];
	_ =	sdelay $0x4  }
0x26c: {  	v19 =	vshll.u32 v3, $0x1  }
0x26d: {  	v3 =	vand.u32 $0x7, v3;
	v4 =	vand.u32 $0xFFFFFFF0, v19  }
0x26e: {  	v3 =	vor.u32 v3, v4  }
0x26f: {  	v4 =	vperm.xlane v3, v0;
	_ =	sdelay $0x1  }
0x270: {  	v3 =	vperm.xlane v3, v2;
	v4 =	vadd.s32 v1, v4;
	_ =	sdelay $0x1  }
0x271: {  	v3 =	vadd.s32 v1, v3;
	_ =	sdelay $0x2  }
0x272: {  	[tilespmem:s21], [sflag:$0x1] =	stream.indirect_vreg.gather [hbm4b:s1+s3], $0x80, v4, vm0, $0xb8;
	[tilespmem:$0x8080] =	vst v63  }
0x273: {  	_ = 	snop  }
0x274: {  	[tilespmem:s22], [sflag:$0x1] =	stream.indirect_vreg.gather [hbm4b:s1+s3], $0x80, v3, vm0, $0xb8;
	[tilespmem:$0x8080] =	vst v63  }
0x275: {  	v3 =	vld [tilespmem:$0x40];
	_ =	sdelay $0x4  }
0x276: {  	v20 =	vshll.u32 v3, $0x1  }
0x277: {  	v3 =	vand.u32 $0x7, v3;
	v4 =	vand.u32 $0xFFFFFFF0, v20  }
0x278: {  	v3 =	vor.u32 v3, v4  }
0x279: {  	v4 =	vperm.xlane v3, v0;
	_ =	sdelay $0x1  }
0x27a: {  	v3 =	vperm.xlane v3, v2;
	v4 =	vadd.s32 v1, v4;
	_ =	sdelay $0x1  }
0x27b: {  	v3 =	vadd.s32 v1, v3;
	_ =	sdelay $0x2  }
0x27c: {  	[tilespmem:s23], [sflag:$0x1] =	stream.indirect_vreg.gather [hbm4b:s1+s3], $0x80, v4, vm0, $0xb8;
	[tilespmem:$0x8080] =	vst v63  }
0x27d: {  	_ = 	snop  }
0x27e: {  	[tilespmem:s24], [sflag:$0x1] =	stream.indirect_vreg.gather [hbm4b:s1+s3], $0x80, v3, vm0, $0xb8;
	[tilespmem:$0x8080] =	vst v63  }
0x27f: {  	v3 =	vld [tilespmem:$0x50];
	_ =	sdelay $0x4  }
0x280: {  	v21 =	vshll.u32 v3, $0x1  }
0x281: {  	v3 =	vand.u32 $0x7, v3;
	v4 =	vand.u32 $0xFFFFFFF0, v21  }
0x282: {  	v3 =	vor.u32 v3, v4  }
0x283: {  	v4 =	vperm.xlane v3, v0;
	_ =	sdelay $0x1  }
0x284: {  	v3 =	vperm.xlane v3, v2;
	v4 =	vadd.s32 v1, v4;
	_ =	sdelay $0x1  }
0x285: {  	v3 =	vadd.s32 v1, v3;
	_ =	sdelay $0x2  }
0x286: {  	[tilespmem:s25], [sflag:$0x1] =	stream.indirect_vreg.gather [hbm4b:s1+s3], $0x80, v4, vm0, $0xb8;
	[tilespmem:$0x8080] =	vst v63  }
0x287: {  	_ = 	snop  }
0x288: {  	[tilespmem:s26], [sflag:$0x1] =	stream.indirect_vreg.gather [hbm4b:s1+s3], $0x80, v3, vm0, $0xb8;
	[tilespmem:$0x8080] =	vst v63  }
0x289: {  	v3 =	vld [tilespmem:$0x60];
	_ =	sdelay $0x4  }
0x28a: {  	v22 =	vshll.u32 v3, $0x1  }
0x28b: {  	v3 =	vand.u32 $0x7, v3;
	v4 =	vand.u32 $0xFFFFFFF0, v22  }
0x28c: {  	v3 =	vor.u32 v3, v4  }
0x28d: {  	v4 =	vperm.xlane v3, v0;
	_ =	sdelay $0x1  }
0x28e: {  	v3 =	vperm.xlane v3, v2;
	v4 =	vadd.s32 v1, v4;
	_ =	sdelay $0x1  }
0x28f: {  	v3 =	vadd.s32 v1, v3;
	_ =	sdelay $0x2  }
0x290: {  	[tilespmem:s28], [sflag:$0x1] =	stream.indirect_vreg.gather [hbm4b:s1+s3], $0x80, v4, vm0, $0xb8;
	[tilespmem:$0x8080] =	vst v63  }
0x291: {  	_ = 	snop  }
0x292: {  	[tilespmem:s29], [sflag:$0x1] =	stream.indirect_vreg.gather [hbm4b:s1+s3], $0x80, v3, vm0, $0xb8;
	[tilespmem:$0x8080] =	vst v63  }
0x293: {  	v3 =	vld [tilespmem:$0x70];
	_ =	sdelay $0x4  }
0x294: {  	v23 =	vshll.u32 v3, $0x1  }
0x295: {  	v3 =	vand.u32 $0x7, v3;
	v4 =	vand.u32 $0xFFFFFFF0, v23  }
0x296: {  	v3 =	vor.u32 v3, v4  }
0x297: {  	v4 =	vperm.xlane v3, v0;
	_ =	sdelay $0x1  }
0x298: {  	v3 =	vperm.xlane v3, v2;
	v4 =	vadd.s32 v1, v4;
	_ =	sdelay $0x1  }
0x299: {  	v3 =	vadd.s32 v1, v3;
	_ =	sdelay $0x2  }
0x29a: {  	[tilespmem:s30], [sflag:$0x1] =	stream.indirect_vreg.gather [hbm4b:s1+s3], $0x80, v4, vm0, $0xb8;
	[tilespmem:$0x8080] =	vst v63  }
0x29b: {  	_ = 	snop  }
0x29c: {  	[tilespmem:s31], [sflag:$0x1] =	stream.indirect_vreg.gather [hbm4b:s1+s3], $0x80, v3, vm0, $0xb8;
	[tilespmem:$0x8080] =	vst v63  }
0x29d: {  	_ =	swait.ge [sflag:s2], $0x8000  }
0x29e: {  	[sflag:s2] =	ssyncset.done $0x0  }
0x29f: {  	s0 =	rddreg [dreg:$0x11];
	[sflag:s2] =	ssyncadd.s32 $0xFFFF8000  }
0x2a0: {  	[hbm4b:s0+s3] =	stream.linear.scatter [tilespmem:s15], [sflag:$0x2], $0x8000, $0x38;
	[tilespmem:$0x8080] =	vst v63  }
0x2a1: {  	_ =	swait.ge [sflag:s14], $0x8000  }
0x2a2: {  	[sflag:s14] =	ssyncset.done $0x0  }
0x2a3: {  	s0 =	rddreg [dreg:$0x12];
	[sflag:s14] =	ssyncadd.s32 $0xFFFF8000  }
0x2a4: {  	[tilespmem:s3], [sflag:$0x2] =	stream.linear.gather [hbm4b:s0+s3], $0x80, $0x38;
	[tilespmem:$0x8080] =	vst v63  }
0x2a5: {  	_ =	swait.ge [sflag:s14], $0x80  }
0x2a6: {  	[sflag:s14] =	ssyncset.done $0x0  }
0x2a7: {  	[sflag:s14] =	ssyncadd.s32 $0xFFFFFF80  }
0x2a8: {  	v3 =	vld [tilespmem:$0x0];
	_ =	sdelay $0x4  }
0x2a9: {  	v24 =	vshll.u32 v3, $0x1  }
0x2aa: {  	v3 =	vand.u32 $0x7, v3;
	v4 =	vand.u32 $0xFFFFFFF0, v24  }
0x2ab: {  	v3 =	vor.u32 v3, v4  }
0x2ac: {  	v4 =	vperm.xlane v3, v0;
	_ =	sdelay $0x1  }
0x2ad: {  	v3 =	vperm.xlane v3, v2;
	v4 =	vadd.s32 v1, v4;
	_ =	sdelay $0x1  }
0x2ae: {  	v3 =	vadd.s32 v1, v3;
	_ =	sdelay $0x2  }
0x2af: {  	[tilespmem:s15], [sflag:$0x1] =	stream.indirect_vreg.gather [hbm4b:s1+s3], $0x80, v4, vm0, $0xb8;
	[tilespmem:$0x8080] =	vst v63  }
0x2b0: {  	_ = 	snop  }
0x2b1: {  	[tilespmem:s16], [sflag:$0x1] =	stream.indirect_vreg.gather [hbm4b:s1+s3], $0x80, v3, vm0, $0xb8;
	[tilespmem:$0x8080] =	vst v63  }
0x2b2: {  	v3 =	vld [tilespmem:$0x10];
	_ =	sdelay $0x4  }
0x2b3: {  	v25 =	vshll.u32 v3, $0x1  }
0x2b4: {  	v3 =	vand.u32 $0x7, v3;
	v4 =	vand.u32 $0xFFFFFFF0, v25  }
0x2b5: {  	v3 =	vor.u32 v3, v4  }
0x2b6: {  	v4 =	vperm.xlane v3, v0;
	_ =	sdelay $0x1  }
0x2b7: {  	v3 =	vperm.xlane v3, v2;
	v4 =	vadd.s32 v1, v4;
	_ =	sdelay $0x1  }
0x2b8: {  	v3 =	vadd.s32 v1, v3;
	_ =	sdelay $0x2  }
0x2b9: {  	[tilespmem:s17], [sflag:$0x1] =	stream.indirect_vreg.gather [hbm4b:s1+s3], $0x80, v4, vm0, $0xb8;
	[tilespmem:$0x8080] =	vst v63  }
0x2ba: {  	_ = 	snop  }
0x2bb: {  	[tilespmem:s18], [sflag:$0x1] =	stream.indirect_vreg.gather [hbm4b:s1+s3], $0x80, v3, vm0, $0xb8;
	[tilespmem:$0x8080] =	vst v63  }
0x2bc: {  	v3 =	vld [tilespmem:$0x20];
	_ =	sdelay $0x4  }
0x2bd: {  	v26 =	vshll.u32 v3, $0x1  }
0x2be: {  	v3 =	vand.u32 $0x7, v3;
	v4 =	vand.u32 $0xFFFFFFF0, v26  }
0x2bf: {  	v3 =	vor.u32 v3, v4  }
0x2c0: {  	v4 =	vperm.xlane v3, v0;
	_ =	sdelay $0x1  }
0x2c1: {  	v3 =	vperm.xlane v3, v2;
	v4 =	vadd.s32 v1, v4;
	_ =	sdelay $0x1  }
0x2c2: {  	v3 =	vadd.s32 v1, v3;
	_ =	sdelay $0x2  }
0x2c3: {  	[tilespmem:s19], [sflag:$0x1] =	stream.indirect_vreg.gather [hbm4b:s1+s3], $0x80, v4, vm0, $0xb8;
	[tilespmem:$0x8080] =	vst v63  }
0x2c4: {  	_ = 	snop  }
0x2c5: {  	[tilespmem:s20], [sflag:$0x1] =	stream.indirect_vreg.gather [hbm4b:s1+s3], $0x80, v3, vm0, $0xb8;
	[tilespmem:$0x8080] =	vst v63  }
0x2c6: {  	v3 =	vld [tilespmem:$0x30];
	_ =	sdelay $0x4  }
0x2c7: {  	v27 =	vshll.u32 v3, $0x1  }
0x2c8: {  	v3 =	vand.u32 $0x7, v3;
	v4 =	vand.u32 $0xFFFFFFF0, v27  }
0x2c9: {  	v3 =	vor.u32 v3, v4  }
0x2ca: {  	v4 =	vperm.xlane v3, v0;
	_ =	sdelay $0x1  }
0x2cb: {  	v3 =	vperm.xlane v3, v2;
	v4 =	vadd.s32 v1, v4;
	_ =	sdelay $0x1  }
0x2cc: {  	v3 =	vadd.s32 v1, v3;
	_ =	sdelay $0x2  }
0x2cd: {  	[tilespmem:s21], [sflag:$0x1] =	stream.indirect_vreg.gather [hbm4b:s1+s3], $0x80, v4, vm0, $0xb8;
	[tilespmem:$0x8080] =	vst v63  }
0x2ce: {  	_ = 	snop  }
0x2cf: {  	[tilespmem:s22], [sflag:$0x1] =	stream.indirect_vreg.gather [hbm4b:s1+s3], $0x80, v3, vm0, $0xb8;
	[tilespmem:$0x8080] =	vst v63  }
0x2d0: {  	v3 =	vld [tilespmem:$0x40];
	_ =	sdelay $0x4  }
0x2d1: {  	v28 =	vshll.u32 v3, $0x1  }
0x2d2: {  	v3 =	vand.u32 $0x7, v3;
	v4 =	vand.u32 $0xFFFFFFF0, v28  }
0x2d3: {  	v3 =	vor.u32 v3, v4  }
0x2d4: {  	v4 =	vperm.xlane v3, v0;
	_ =	sdelay $0x1  }
0x2d5: {  	v3 =	vperm.xlane v3, v2;
	v4 =	vadd.s32 v1, v4;
	_ =	sdelay $0x1  }
0x2d6: {  	v3 =	vadd.s32 v1, v3;
	_ =	sdelay $0x2  }
0x2d7: {  	[tilespmem:s23], [sflag:$0x1] =	stream.indirect_vreg.gather [hbm4b:s1+s3], $0x80, v4, vm0, $0xb8;
	[tilespmem:$0x8080] =	vst v63  }
0x2d8: {  	_ = 	snop  }
0x2d9: {  	[tilespmem:s24], [sflag:$0x1] =	stream.indirect_vreg.gather [hbm4b:s1+s3], $0x80, v3, vm0, $0xb8;
	[tilespmem:$0x8080] =	vst v63  }
0x2da: {  	v3 =	vld [tilespmem:$0x50];
	_ =	sdelay $0x4  }
0x2db: {  	v29 =	vshll.u32 v3, $0x1  }
0x2dc: {  	v3 =	vand.u32 $0x7, v3;
	v4 =	vand.u32 $0xFFFFFFF0, v29  }
0x2dd: {  	v3 =	vor.u32 v3, v4  }
0x2de: {  	v4 =	vperm.xlane v3, v0;
	_ =	sdelay $0x1  }
0x2df: {  	v3 =	vperm.xlane v3, v2;
	v4 =	vadd.s32 v1, v4;
	_ =	sdelay $0x1  }
0x2e0: {  	v3 =	vadd.s32 v1, v3;
	_ =	sdelay $0x2  }
0x2e1: {  	[tilespmem:s25], [sflag:$0x1] =	stream.indirect_vreg.gather [hbm4b:s1+s3], $0x80, v4, vm0, $0xb8;
	[tilespmem:$0x8080] =	vst v63  }
0x2e2: {  	_ = 	snop  }
0x2e3: {  	[tilespmem:s26], [sflag:$0x1] =	stream.indirect_vreg.gather [hbm4b:s1+s3], $0x80, v3, vm0, $0xb8;
	[tilespmem:$0x8080] =	vst v63  }
0x2e4: {  	v3 =	vld [tilespmem:$0x60];
	_ =	sdelay $0x4  }
0x2e5: {  	v30 =	vshll.u32 v3, $0x1  }
0x2e6: {  	v3 =	vand.u32 $0x7, v3;
	v4 =	vand.u32 $0xFFFFFFF0, v30  }
0x2e7: {  	v3 =	vor.u32 v3, v4  }
0x2e8: {  	v4 =	vperm.xlane v3, v0;
	_ =	sdelay $0x1  }
0x2e9: {  	v3 =	vperm.xlane v3, v2;
	v4 =	vadd.s32 v1, v4;
	_ =	sdelay $0x1  }
0x2ea: {  	v3 =	vadd.s32 v1, v3;
	_ =	sdelay $0x2  }
0x2eb: {  	[tilespmem:s28], [sflag:$0x1] =	stream.indirect_vreg.gather [hbm4b:s1+s3], $0x80, v4, vm0, $0xb8;
	[tilespmem:$0x8080] =	vst v63  }
0x2ec: {  	_ = 	snop  }
0x2ed: {  	[tilespmem:s29], [sflag:$0x1] =	stream.indirect_vreg.gather [hbm4b:s1+s3], $0x80, v3, vm0, $0xb8;
	[tilespmem:$0x8080] =	vst v63  }
0x2ee: {  	v3 =	vld [tilespmem:$0x70];
	_ =	sdelay $0x4  }
0x2ef: {  	v31 =	vshll.u32 v3, $0x1  }
0x2f0: {  	v3 =	vand.u32 $0x7, v3;
	v4 =	vand.u32 $0xFFFFFFF0, v31  }
0x2f1: {  	v3 =	vor.u32 v3, v4  }
0x2f2: {  	v4 =	vperm.xlane v3, v0;
	_ =	sdelay $0x1  }
0x2f3: {  	v3 =	vperm.xlane v3, v2;
	v4 =	vadd.s32 v1, v4;
	_ =	sdelay $0x1  }
0x2f4: {  	v3 =	vadd.s32 v1, v3;
	_ =	sdelay $0x2  }
0x2f5: {  	[tilespmem:s30], [sflag:$0x1] =	stream.indirect_vreg.gather [hbm4b:s1+s3], $0x80, v4, vm0, $0xb8;
	[tilespmem:$0x8080] =	vst v63  }
0x2f6: {  	_ = 	snop  }
0x2f7: {  	[tilespmem:s31], [sflag:$0x1] =	stream.indirect_vreg.gather [hbm4b:s1+s3], $0x80, v3, vm0, $0xb8;
	[tilespmem:$0x8080] =	vst v63  }
0x2f8: {  	_ =	swait.ge [sflag:s2], $0x8000  }
0x2f9: {  	[sflag:s2] =	ssyncset.done $0x0  }
0x2fa: {  	[sflag:s2] =	ssyncadd.s32 $0xFFFF8000  }
0x2fb: {  	[hbm4b:s4+s3] =	stream.linear.scatter [tilespmem:s15], [sflag:$0x2], $0x8000, $0x38;
	[tilespmem:$0x8080] =	vst v63  }
0x2fc: {  	_ =	swait.ge [sflag:s14], $0x8000  }
0x2fd: {  	[sflag:s14] =	ssyncset.done $0x0  }
0x2fe: {  	[sflag:s14] =	ssyncadd.s32 $0xFFFF8000  }
0x2ff: {  	[tilespmem:s3], [sflag:$0x2] =	stream.linear.gather [hbm4b:s5+s3], $0x80, $0x38;
	[tilespmem:$0x8080] =	vst v63  }
0x300: {  	_ =	swait.ge [sflag:s14], $0x80  }
0x301: {  	[sflag:s14] =	ssyncset.done $0x0  }
0x302: {  	[sflag:s14] =	ssyncadd.s32 $0xFFFFFF80  }
0x303: {  	v3 =	vld [tilespmem:$0x0];
	_ =	sdelay $0x4  }
0x304: {  	v32 =	vshll.u32 v3, $0x1  }
0x305: {  	v3 =	vand.u32 $0x7, v3;
	v4 =	vand.u32 $0xFFFFFFF0, v32  }
0x306: {  	v3 =	vor.u32 v3, v4  }
0x307: {  	v4 =	vperm.xlane v3, v0;
	_ =	sdelay $0x1  }
0x308: {  	v3 =	vperm.xlane v3, v2;
	v4 =	vadd.s32 v1, v4;
	_ =	sdelay $0x1  }
0x309: {  	v3 =	vadd.s32 v1, v3;
	_ =	sdelay $0x2  }
0x30a: {  	[tilespmem:s15], [sflag:$0x1] =	stream.indirect_vreg.gather [hbm4b:s1+s3], $0x80, v4, vm0, $0xb8;
	[tilespmem:$0x8080] =	vst v63  }
0x30b: {  	_ = 	snop  }
0x30c: {  	[tilespmem:s16], [sflag:$0x1] =	stream.indirect_vreg.gather [hbm4b:s1+s3], $0x80, v3, vm0, $0xb8;
	[tilespmem:$0x8080] =	vst v63  }
0x30d: {  	v3 =	vld [tilespmem:$0x10];
	_ =	sdelay $0x4  }
0x30e: {  	v33 =	vshll.u32 v3, $0x1  }
0x30f: {  	v3 =	vand.u32 $0x7, v3;
	v4 =	vand.u32 $0xFFFFFFF0, v33  }
0x310: {  	v3 =	vor.u32 v3, v4  }
0x311: {  	v4 =	vperm.xlane v3, v0;
	_ =	sdelay $0x1  }
0x312: {  	v3 =	vperm.xlane v3, v2;
	v4 =	vadd.s32 v1, v4;
	_ =	sdelay $0x1  }
0x313: {  	v3 =	vadd.s32 v1, v3;
	_ =	sdelay $0x2  }
0x314: {  	[tilespmem:s17], [sflag:$0x1] =	stream.indirect_vreg.gather [hbm4b:s1+s3], $0x80, v4, vm0, $0xb8;
	[tilespmem:$0x8080] =	vst v63  }
0x315: {  	_ = 	snop  }
0x316: {  	[tilespmem:s18], [sflag:$0x1] =	stream.indirect_vreg.gather [hbm4b:s1+s3], $0x80, v3, vm0, $0xb8;
	[tilespmem:$0x8080] =	vst v63  }
0x317: {  	v3 =	vld [tilespmem:$0x20];
	_ =	sdelay $0x4  }
0x318: {  	v34 =	vshll.u32 v3, $0x1  }
0x319: {  	v3 =	vand.u32 $0x7, v3;
	v4 =	vand.u32 $0xFFFFFFF0, v34  }
0x31a: {  	v3 =	vor.u32 v3, v4  }
0x31b: {  	v4 =	vperm.xlane v3, v0;
	_ =	sdelay $0x1  }
0x31c: {  	v3 =	vperm.xlane v3, v2;
	v4 =	vadd.s32 v1, v4;
	_ =	sdelay $0x1  }
0x31d: {  	v3 =	vadd.s32 v1, v3;
	_ =	sdelay $0x2  }
0x31e: {  	[tilespmem:s19], [sflag:$0x1] =	stream.indirect_vreg.gather [hbm4b:s1+s3], $0x80, v4, vm0, $0xb8;
	[tilespmem:$0x8080] =	vst v63  }
0x31f: {  	_ = 	snop  }
0x320: {  	[tilespmem:s20], [sflag:$0x1] =	stream.indirect_vreg.gather [hbm4b:s1+s3], $0x80, v3, vm0, $0xb8;
	[tilespmem:$0x8080] =	vst v63  }
0x321: {  	v3 =	vld [tilespmem:$0x30];
	_ =	sdelay $0x4  }
0x322: {  	v35 =	vshll.u32 v3, $0x1  }
0x323: {  	v3 =	vand.u32 $0x7, v3;
	v4 =	vand.u32 $0xFFFFFFF0, v35  }
0x324: {  	v3 =	vor.u32 v3, v4  }
0x325: {  	v4 =	vperm.xlane v3, v0;
	_ =	sdelay $0x1  }
0x326: {  	v3 =	vperm.xlane v3, v2;
	v4 =	vadd.s32 v1, v4;
	_ =	sdelay $0x1  }
0x327: {  	v3 =	vadd.s32 v1, v3;
	_ =	sdelay $0x2  }
0x328: {  	[tilespmem:s21], [sflag:$0x1] =	stream.indirect_vreg.gather [hbm4b:s1+s3], $0x80, v4, vm0, $0xb8;
	[tilespmem:$0x8080] =	vst v63  }
0x329: {  	_ = 	snop  }
0x32a: {  	[tilespmem:s22], [sflag:$0x1] =	stream.indirect_vreg.gather [hbm4b:s1+s3], $0x80, v3, vm0, $0xb8;
	[tilespmem:$0x8080] =	vst v63  }
0x32b: {  	v3 =	vld [tilespmem:$0x40];
	_ =	sdelay $0x4  }
0x32c: {  	v36 =	vshll.u32 v3, $0x1  }
0x32d: {  	v3 =	vand.u32 $0x7, v3;
	v4 =	vand.u32 $0xFFFFFFF0, v36  }
0x32e: {  	v3 =	vor.u32 v3, v4  }
0x32f: {  	v4 =	vperm.xlane v3, v0;
	_ =	sdelay $0x1  }
0x330: {  	v3 =	vperm.xlane v3, v2;
	v4 =	vadd.s32 v1, v4;
	_ =	sdelay $0x1  }
0x331: {  	v3 =	vadd.s32 v1, v3;
	_ =	sdelay $0x2  }
0x332: {  	[tilespmem:s23], [sflag:$0x1] =	stream.indirect_vreg.gather [hbm4b:s1+s3], $0x80, v4, vm0, $0xb8;
	[tilespmem:$0x8080] =	vst v63  }
0x333: {  	_ = 	snop  }
0x334: {  	[tilespmem:s24], [sflag:$0x1] =	stream.indirect_vreg.gather [hbm4b:s1+s3], $0x80, v3, vm0, $0xb8;
	[tilespmem:$0x8080] =	vst v63  }
0x335: {  	v3 =	vld [tilespmem:$0x50];
	_ =	sdelay $0x4  }
0x336: {  	v37 =	vshll.u32 v3, $0x1  }
0x337: {  	v3 =	vand.u32 $0x7, v3;
	v4 =	vand.u32 $0xFFFFFFF0, v37  }
0x338: {  	v3 =	vor.u32 v3, v4  }
0x339: {  	v4 =	vperm.xlane v3, v0;
	_ =	sdelay $0x1  }
0x33a: {  	v3 =	vperm.xlane v3, v2;
	v4 =	vadd.s32 v1, v4;
	_ =	sdelay $0x1  }
0x33b: {  	v3 =	vadd.s32 v1, v3;
	_ =	sdelay $0x2  }
0x33c: {  	[tilespmem:s25], [sflag:$0x1] =	stream.indirect_vreg.gather [hbm4b:s1+s3], $0x80, v4, vm0, $0xb8;
	[tilespmem:$0x8080] =	vst v63  }
0x33d: {  	_ = 	snop  }
0x33e: {  	[tilespmem:s26], [sflag:$0x1] =	stream.indirect_vreg.gather [hbm4b:s1+s3], $0x80, v3, vm0, $0xb8;
	[tilespmem:$0x8080] =	vst v63  }
0x33f: {  	v3 =	vld [tilespmem:$0x60];
	_ =	sdelay $0x4  }
0x340: {  	v38 =	vshll.u32 v3, $0x1  }
0x341: {  	v3 =	vand.u32 $0x7, v3;
	v4 =	vand.u32 $0xFFFFFFF0, v38  }
0x342: {  	v3 =	vor.u32 v3, v4  }
0x343: {  	v4 =	vperm.xlane v3, v0;
	_ =	sdelay $0x1  }
0x344: {  	v3 =	vperm.xlane v3, v2;
	v4 =	vadd.s32 v1, v4;
	_ =	sdelay $0x1  }
0x345: {  	v3 =	vadd.s32 v1, v3;
	_ =	sdelay $0x2  }
0x346: {  	[tilespmem:s28], [sflag:$0x1] =	stream.indirect_vreg.gather [hbm4b:s1+s3], $0x80, v4, vm0, $0xb8;
	[tilespmem:$0x8080] =	vst v63  }
0x347: {  	_ = 	snop  }
0x348: {  	[tilespmem:s29], [sflag:$0x1] =	stream.indirect_vreg.gather [hbm4b:s1+s3], $0x80, v3, vm0, $0xb8;
	[tilespmem:$0x8080] =	vst v63  }
0x349: {  	v3 =	vld [tilespmem:$0x70];
	_ =	sdelay $0x4  }
0x34a: {  	v39 =	vshll.u32 v3, $0x1  }
0x34b: {  	v3 =	vand.u32 $0x7, v3;
	v4 =	vand.u32 $0xFFFFFFF0, v39  }
0x34c: {  	v3 =	vor.u32 v3, v4  }
0x34d: {  	v4 =	vperm.xlane v3, v0;
	_ =	sdelay $0x1  }
0x34e: {  	v3 =	vperm.xlane v3, v2;
	v4 =	vadd.s32 v1, v4;
	_ =	sdelay $0x1  }
0x34f: {  	v3 =	vadd.s32 v1, v3;
	_ =	sdelay $0x2  }
0x350: {  	[tilespmem:s30], [sflag:$0x1] =	stream.indirect_vreg.gather [hbm4b:s1+s3], $0x80, v4, vm0, $0xb8;
	[tilespmem:$0x8080] =	vst v63  }
0x351: {  	_ = 	snop  }
0x352: {  	[tilespmem:s31], [sflag:$0x1] =	stream.indirect_vreg.gather [hbm4b:s1+s3], $0x80, v3, vm0, $0xb8;
	[tilespmem:$0x8080] =	vst v63  }
0x353: {  	_ =	swait.ge [sflag:s2], $0x8000  }
0x354: {  	[sflag:s2] =	ssyncset.done $0x0  }
0x355: {  	[sflag:s2] =	ssyncadd.s32 $0xFFFF8000  }
0x356: {  	[hbm4b:s6+s3] =	stream.linear.scatter [tilespmem:s15], [sflag:$0x2], $0x8000, $0x38;
	[tilespmem:$0x8080] =	vst v63  }
0x357: {  	_ =	swait.ge [sflag:s14], $0x8000  }
0x358: {  	[sflag:s14] =	ssyncset.done $0x0  }
0x359: {  	[sflag:s14] =	ssyncadd.s32 $0xFFFF8000  }
0x35a: {  	[tilespmem:s3], [sflag:$0x2] =	stream.linear.gather [hbm4b:s7+s3], $0x80, $0x38;
	[tilespmem:$0x8080] =	vst v63  }
0x35b: {  	_ =	swait.ge [sflag:s14], $0x80  }
0x35c: {  	[sflag:s14] =	ssyncset.done $0x0  }
0x35d: {  	[sflag:s14] =	ssyncadd.s32 $0xFFFFFF80  }
0x35e: {  	v3 =	vld [tilespmem:$0x0];
	_ =	sdelay $0x4  }
0x35f: {  	v40 =	vshll.u32 v3, $0x1  }
0x360: {  	v3 =	vand.u32 $0x7, v3;
	v4 =	vand.u32 $0xFFFFFFF0, v40  }
0x361: {  	v3 =	vor.u32 v3, v4  }
0x362: {  	v4 =	vperm.xlane v3, v0;
	_ =	sdelay $0x1  }
0x363: {  	v3 =	vperm.xlane v3, v2;
	v4 =	vadd.s32 v1, v4;
	_ =	sdelay $0x1  }
0x364: {  	v3 =	vadd.s32 v1, v3;
	_ =	sdelay $0x2  }
0x365: {  	[tilespmem:s15], [sflag:$0x1] =	stream.indirect_vreg.gather [hbm4b:s1+s3], $0x80, v4, vm0, $0xb8;
	[tilespmem:$0x8080] =	vst v63  }
0x366: {  	_ = 	snop  }
0x367: {  	[tilespmem:s16], [sflag:$0x1] =	stream.indirect_vreg.gather [hbm4b:s1+s3], $0x80, v3, vm0, $0xb8;
	[tilespmem:$0x8080] =	vst v63  }
0x368: {  	v3 =	vld [tilespmem:$0x10];
	_ =	sdelay $0x4  }
0x369: {  	v41 =	vshll.u32 v3, $0x1  }
0x36a: {  	v3 =	vand.u32 $0x7, v3;
	v4 =	vand.u32 $0xFFFFFFF0, v41  }
0x36b: {  	v3 =	vor.u32 v3, v4  }
0x36c: {  	v4 =	vperm.xlane v3, v0;
	_ =	sdelay $0x1  }
0x36d: {  	v3 =	vperm.xlane v3, v2;
	v4 =	vadd.s32 v1, v4;
	_ =	sdelay $0x1  }
0x36e: {  	v3 =	vadd.s32 v1, v3;
	_ =	sdelay $0x2  }
0x36f: {  	[tilespmem:s17], [sflag:$0x1] =	stream.indirect_vreg.gather [hbm4b:s1+s3], $0x80, v4, vm0, $0xb8;
	[tilespmem:$0x8080] =	vst v63  }
0x370: {  	_ = 	snop  }
0x371: {  	[tilespmem:s18], [sflag:$0x1] =	stream.indirect_vreg.gather [hbm4b:s1+s3], $0x80, v3, vm0, $0xb8;
	[tilespmem:$0x8080] =	vst v63  }
0x372: {  	v3 =	vld [tilespmem:$0x20];
	_ =	sdelay $0x4  }
0x373: {  	v42 =	vshll.u32 v3, $0x1  }
0x374: {  	v3 =	vand.u32 $0x7, v3;
	v4 =	vand.u32 $0xFFFFFFF0, v42  }
0x375: {  	v3 =	vor.u32 v3, v4  }
0x376: {  	v4 =	vperm.xlane v3, v0;
	_ =	sdelay $0x1  }
0x377: {  	v3 =	vperm.xlane v3, v2;
	v4 =	vadd.s32 v1, v4;
	_ =	sdelay $0x1  }
0x378: {  	v3 =	vadd.s32 v1, v3;
	_ =	sdelay $0x2  }
0x379: {  	[tilespmem:s19], [sflag:$0x1] =	stream.indirect_vreg.gather [hbm4b:s1+s3], $0x80, v4, vm0, $0xb8;
	[tilespmem:$0x8080] =	vst v63  }
0x37a: {  	_ = 	snop  }
0x37b: {  	[tilespmem:s20], [sflag:$0x1] =	stream.indirect_vreg.gather [hbm4b:s1+s3], $0x80, v3, vm0, $0xb8;
	[tilespmem:$0x8080] =	vst v63  }
0x37c: {  	v3 =	vld [tilespmem:$0x30];
	_ =	sdelay $0x4  }
0x37d: {  	v43 =	vshll.u32 v3, $0x1  }
0x37e: {  	v3 =	vand.u32 $0x7, v3;
	v4 =	vand.u32 $0xFFFFFFF0, v43  }
0x37f: {  	v3 =	vor.u32 v3, v4  }
0x380: {  	v4 =	vperm.xlane v3, v0;
	_ =	sdelay $0x1  }
0x381: {  	v3 =	vperm.xlane v3, v2;
	v4 =	vadd.s32 v1, v4;
	_ =	sdelay $0x1  }
0x382: {  	v3 =	vadd.s32 v1, v3;
	_ =	sdelay $0x2  }
0x383: {  	[tilespmem:s21], [sflag:$0x1] =	stream.indirect_vreg.gather [hbm4b:s1+s3], $0x80, v4, vm0, $0xb8;
	[tilespmem:$0x8080] =	vst v63  }
0x384: {  	_ = 	snop  }
0x385: {  	[tilespmem:s22], [sflag:$0x1] =	stream.indirect_vreg.gather [hbm4b:s1+s3], $0x80, v3, vm0, $0xb8;
	[tilespmem:$0x8080] =	vst v63  }
0x386: {  	v3 =	vld [tilespmem:$0x40];
	_ =	sdelay $0x4  }
0x387: {  	v44 =	vshll.u32 v3, $0x1  }
0x388: {  	v3 =	vand.u32 $0x7, v3;
	v4 =	vand.u32 $0xFFFFFFF0, v44  }
0x389: {  	v3 =	vor.u32 v3, v4  }
0x38a: {  	v4 =	vperm.xlane v3, v0;
	_ =	sdelay $0x1  }
0x38b: {  	v3 =	vperm.xlane v3, v2;
	v4 =	vadd.s32 v1, v4;
	_ =	sdelay $0x1  }
0x38c: {  	v3 =	vadd.s32 v1, v3;
	_ =	sdelay $0x2  }
0x38d: {  	[tilespmem:s23], [sflag:$0x1] =	stream.indirect_vreg.gather [hbm4b:s1+s3], $0x80, v4, vm0, $0xb8;
	[tilespmem:$0x8080] =	vst v63  }
0x38e: {  	_ = 	snop  }
0x38f: {  	[tilespmem:s24], [sflag:$0x1] =	stream.indirect_vreg.gather [hbm4b:s1+s3], $0x80, v3, vm0, $0xb8;
	[tilespmem:$0x8080] =	vst v63  }
0x390: {  	v3 =	vld [tilespmem:$0x50];
	_ =	sdelay $0x4  }
0x391: {  	v45 =	vshll.u32 v3, $0x1  }
0x392: {  	v3 =	vand.u32 $0x7, v3;
	v4 =	vand.u32 $0xFFFFFFF0, v45  }
0x393: {  	v3 =	vor.u32 v3, v4  }
0x394: {  	v4 =	vperm.xlane v3, v0;
	_ =	sdelay $0x1  }
0x395: {  	v3 =	vperm.xlane v3, v2;
	v4 =	vadd.s32 v1, v4;
	_ =	sdelay $0x1  }
0x396: {  	v3 =	vadd.s32 v1, v3;
	_ =	sdelay $0x2  }
0x397: {  	[tilespmem:s25], [sflag:$0x1] =	stream.indirect_vreg.gather [hbm4b:s1+s3], $0x80, v4, vm0, $0xb8;
	[tilespmem:$0x8080] =	vst v63  }
0x398: {  	_ = 	snop  }
0x399: {  	[tilespmem:s26], [sflag:$0x1] =	stream.indirect_vreg.gather [hbm4b:s1+s3], $0x80, v3, vm0, $0xb8;
	[tilespmem:$0x8080] =	vst v63  }
0x39a: {  	v3 =	vld [tilespmem:$0x60];
	_ =	sdelay $0x4  }
0x39b: {  	v46 =	vshll.u32 v3, $0x1  }
0x39c: {  	v3 =	vand.u32 $0x7, v3;
	v4 =	vand.u32 $0xFFFFFFF0, v46  }
0x39d: {  	v3 =	vor.u32 v3, v4  }
0x39e: {  	v4 =	vperm.xlane v3, v0;
	_ =	sdelay $0x1  }
0x39f: {  	v3 =	vperm.xlane v3, v2;
	v4 =	vadd.s32 v1, v4;
	_ =	sdelay $0x1  }
0x3a0: {  	v3 =	vadd.s32 v1, v3;
	_ =	sdelay $0x2  }
0x3a1: {  	[tilespmem:s28], [sflag:$0x1] =	stream.indirect_vreg.gather [hbm4b:s1+s3], $0x80, v4, vm0, $0xb8;
	[tilespmem:$0x8080] =	vst v63  }
0x3a2: {  	_ = 	snop  }
0x3a3: {  	[tilespmem:s29], [sflag:$0x1] =	stream.indirect_vreg.gather [hbm4b:s1+s3], $0x80, v3, vm0, $0xb8;
	[tilespmem:$0x8080] =	vst v63  }
0x3a4: {  	v3 =	vld [tilespmem:$0x70];
	_ =	sdelay $0x4  }
0x3a5: {  	v47 =	vshll.u32 v3, $0x1  }
0x3a6: {  	v3 =	vand.u32 $0x7, v3;
	v4 =	vand.u32 $0xFFFFFFF0, v47  }
0x3a7: {  	v3 =	vor.u32 v3, v4  }
0x3a8: {  	v4 =	vperm.xlane v3, v0;
	_ =	sdelay $0x1  }
0x3a9: {  	v3 =	vperm.xlane v3, v2;
	v4 =	vadd.s32 v1, v4;
	_ =	sdelay $0x1  }
0x3aa: {  	v3 =	vadd.s32 v1, v3;
	_ =	sdelay $0x2  }
0x3ab: {  	[tilespmem:s30], [sflag:$0x1] =	stream.indirect_vreg.gather [hbm4b:s1+s3], $0x80, v4, vm0, $0xb8;
	[tilespmem:$0x8080] =	vst v63  }
0x3ac: {  	_ = 	snop  }
0x3ad: {  	[tilespmem:s31], [sflag:$0x1] =	stream.indirect_vreg.gather [hbm4b:s1+s3], $0x80, v3, vm0, $0xb8;
	[tilespmem:$0x8080] =	vst v63  }
0x3ae: {  	_ =	swait.ge [sflag:s2], $0x8000  }
0x3af: {  	[sflag:s2] =	ssyncset.done $0x0  }
0x3b0: {  	[sflag:s2] =	ssyncadd.s32 $0xFFFF8000  }
0x3b1: {  	[hbm4b:s8+s3] =	stream.linear.scatter [tilespmem:s15], [sflag:$0x2], $0x8000, $0x38;
	[tilespmem:$0x8080] =	vst v63  }
0x3b2: {  	_ =	swait.ge [sflag:s14], $0x8000  }
0x3b3: {  	[sflag:s14] =	ssyncset.done $0x0  }
0x3b4: {  	[sflag:s14] =	ssyncadd.s32 $0xFFFF8000  }
0x3b5: {  	[tilespmem:s3], [sflag:$0x2] =	stream.linear.gather [hbm4b:s9+s3], $0x80, $0x38;
	[tilespmem:$0x8080] =	vst v63  }
0x3b6: {  	_ =	swait.ge [sflag:s14], $0x80  }
0x3b7: {  	[sflag:s14] =	ssyncset.done $0x0  }
0x3b8: {  	[sflag:s14] =	ssyncadd.s32 $0xFFFFFF80  }
0x3b9: {  	v3 =	vld [tilespmem:$0x0];
	_ =	sdelay $0x4  }
0x3ba: {  	v48 =	vshll.u32 v3, $0x1  }
0x3bb: {  	v3 =	vand.u32 $0x7, v3;
	v4 =	vand.u32 $0xFFFFFFF0, v48  }
0x3bc: {  	v3 =	vor.u32 v3, v4  }
0x3bd: {  	v4 =	vperm.xlane v3, v0;
	_ =	sdelay $0x1  }
0x3be: {  	v3 =	vperm.xlane v3, v2;
	v4 =	vadd.s32 v1, v4;
	_ =	sdelay $0x1  }
0x3bf: {  	v3 =	vadd.s32 v1, v3;
	_ =	sdelay $0x2  }
0x3c0: {  	[tilespmem:s15], [sflag:$0x1] =	stream.indirect_vreg.gather [hbm4b:s1+s3], $0x80, v4, vm0, $0xb8;
	[tilespmem:$0x8080] =	vst v63  }
0x3c1: {  	_ = 	snop  }
0x3c2: {  	[tilespmem:s16], [sflag:$0x1] =	stream.indirect_vreg.gather [hbm4b:s1+s3], $0x80, v3, vm0, $0xb8;
	[tilespmem:$0x8080] =	vst v63  }
0x3c3: {  	v3 =	vld [tilespmem:$0x10];
	_ =	sdelay $0x4  }
0x3c4: {  	v49 =	vshll.u32 v3, $0x1  }
0x3c5: {  	v3 =	vand.u32 $0x7, v3;
	v4 =	vand.u32 $0xFFFFFFF0, v49  }
0x3c6: {  	v3 =	vor.u32 v3, v4  }
0x3c7: {  	v4 =	vperm.xlane v3, v0;
	_ =	sdelay $0x1  }
0x3c8: {  	v3 =	vperm.xlane v3, v2;
	v4 =	vadd.s32 v1, v4;
	_ =	sdelay $0x1  }
0x3c9: {  	v3 =	vadd.s32 v1, v3;
	_ =	sdelay $0x2  }
0x3ca: {  	[tilespmem:s17], [sflag:$0x1] =	stream.indirect_vreg.gather [hbm4b:s1+s3], $0x80, v4, vm0, $0xb8;
	[tilespmem:$0x8080] =	vst v63  }
0x3cb: {  	_ = 	snop  }
0x3cc: {  	[tilespmem:s18], [sflag:$0x1] =	stream.indirect_vreg.gather [hbm4b:s1+s3], $0x80, v3, vm0, $0xb8;
	[tilespmem:$0x8080] =	vst v63  }
0x3cd: {  	v3 =	vld [tilespmem:$0x20];
	_ =	sdelay $0x4  }
0x3ce: {  	v50 =	vshll.u32 v3, $0x1  }
0x3cf: {  	v3 =	vand.u32 $0x7, v3;
	v4 =	vand.u32 $0xFFFFFFF0, v50  }
0x3d0: {  	v3 =	vor.u32 v3, v4  }
0x3d1: {  	v4 =	vperm.xlane v3, v0;
	_ =	sdelay $0x1  }
0x3d2: {  	v3 =	vperm.xlane v3, v2;
	v4 =	vadd.s32 v1, v4;
	_ =	sdelay $0x1  }
0x3d3: {  	v3 =	vadd.s32 v1, v3;
	_ =	sdelay $0x2  }
0x3d4: {  	[tilespmem:s19], [sflag:$0x1] =	stream.indirect_vreg.gather [hbm4b:s1+s3], $0x80, v4, vm0, $0xb8;
	[tilespmem:$0x8080] =	vst v63  }
0x3d5: {  	_ = 	snop  }
0x3d6: {  	[tilespmem:s20], [sflag:$0x1] =	stream.indirect_vreg.gather [hbm4b:s1+s3], $0x80, v3, vm0, $0xb8;
	[tilespmem:$0x8080] =	vst v63  }
0x3d7: {  	v3 =	vld [tilespmem:$0x30];
	_ =	sdelay $0x4  }
0x3d8: {  	v51 =	vshll.u32 v3, $0x1  }
0x3d9: {  	v3 =	vand.u32 $0x7, v3;
	v4 =	vand.u32 $0xFFFFFFF0, v51  }
0x3da: {  	v3 =	vor.u32 v3, v4  }
0x3db: {  	v4 =	vperm.xlane v3, v0;
	_ =	sdelay $0x1  }
0x3dc: {  	v3 =	vperm.xlane v3, v2;
	v4 =	vadd.s32 v1, v4;
	_ =	sdelay $0x1  }
0x3dd: {  	v3 =	vadd.s32 v1, v3;
	_ =	sdelay $0x2  }
0x3de: {  	[tilespmem:s21], [sflag:$0x1] =	stream.indirect_vreg.gather [hbm4b:s1+s3], $0x80, v4, vm0, $0xb8;
	[tilespmem:$0x8080] =	vst v63  }
0x3df: {  	_ = 	snop  }
0x3e0: {  	[tilespmem:s22], [sflag:$0x1] =	stream.indirect_vreg.gather [hbm4b:s1+s3], $0x80, v3, vm0, $0xb8;
	[tilespmem:$0x8080] =	vst v63  }
0x3e1: {  	v3 =	vld [tilespmem:$0x40];
	_ =	sdelay $0x4  }
0x3e2: {  	v52 =	vshll.u32 v3, $0x1  }
0x3e3: {  	v3 =	vand.u32 $0x7, v3;
	v4 =	vand.u32 $0xFFFFFFF0, v52  }
0x3e4: {  	v3 =	vor.u32 v3, v4  }
0x3e5: {  	v4 =	vperm.xlane v3, v0;
	_ =	sdelay $0x1  }
0x3e6: {  	v3 =	vperm.xlane v3, v2;
	v4 =	vadd.s32 v1, v4;
	_ =	sdelay $0x1  }
0x3e7: {  	v3 =	vadd.s32 v1, v3;
	_ =	sdelay $0x2  }
0x3e8: {  	[tilespmem:s23], [sflag:$0x1] =	stream.indirect_vreg.gather [hbm4b:s1+s3], $0x80, v4, vm0, $0xb8;
	[tilespmem:$0x8080] =	vst v63  }
0x3e9: {  	_ = 	snop  }
0x3ea: {  	[tilespmem:s24], [sflag:$0x1] =	stream.indirect_vreg.gather [hbm4b:s1+s3], $0x80, v3, vm0, $0xb8;
	[tilespmem:$0x8080] =	vst v63  }
0x3eb: {  	v3 =	vld [tilespmem:$0x50];
	_ =	sdelay $0x4  }
0x3ec: {  	v53 =	vshll.u32 v3, $0x1  }
0x3ed: {  	v3 =	vand.u32 $0x7, v3;
	v4 =	vand.u32 $0xFFFFFFF0, v53  }
0x3ee: {  	v3 =	vor.u32 v3, v4  }
0x3ef: {  	v4 =	vperm.xlane v3, v0;
	_ =	sdelay $0x1  }
0x3f0: {  	v3 =	vperm.xlane v3, v2;
	v4 =	vadd.s32 v1, v4;
	_ =	sdelay $0x1  }
0x3f1: {  	v3 =	vadd.s32 v1, v3;
	_ =	sdelay $0x2  }
0x3f2: {  	[tilespmem:s25], [sflag:$0x1] =	stream.indirect_vreg.gather [hbm4b:s1+s3], $0x80, v4, vm0, $0xb8;
	[tilespmem:$0x8080] =	vst v63  }
0x3f3: {  	_ = 	snop  }
0x3f4: {  	[tilespmem:s26], [sflag:$0x1] =	stream.indirect_vreg.gather [hbm4b:s1+s3], $0x80, v3, vm0, $0xb8;
	[tilespmem:$0x8080] =	vst v63  }
0x3f5: {  	v3 =	vld [tilespmem:$0x60];
	_ =	sdelay $0x4  }
0x3f6: {  	v54 =	vshll.u32 v3, $0x1  }
0x3f7: {  	v3 =	vand.u32 $0x7, v3;
	v4 =	vand.u32 $0xFFFFFFF0, v54  }
0x3f8: {  	v3 =	vor.u32 v3, v4  }
0x3f9: {  	v4 =	vperm.xlane v3, v0;
	_ =	sdelay $0x1  }
0x3fa: {  	v3 =	vperm.xlane v3, v2;
	v4 =	vadd.s32 v1, v4;
	_ =	sdelay $0x1  }
0x3fb: {  	v3 =	vadd.s32 v1, v3;
	_ =	sdelay $0x2  }
0x3fc: {  	[tilespmem:s28], [sflag:$0x1] =	stream.indirect_vreg.gather [hbm4b:s1+s3], $0x80, v4, vm0, $0xb8;
	[tilespmem:$0x8080] =	vst v63  }
0x3fd: {  	_ = 	snop  }
0x3fe: {  	[tilespmem:s29], [sflag:$0x1] =	stream.indirect_vreg.gather [hbm4b:s1+s3], $0x80, v3, vm0, $0xb8;
	[tilespmem:$0x8080] =	vst v63  }
0x3ff: {  	v3 =	vld [tilespmem:$0x70];
	_ =	sdelay $0x4  }
0x400: {  	v55 =	vshll.u32 v3, $0x1  }
0x401: {  	v3 =	vand.u32 $0x7, v3;
	v4 =	vand.u32 $0xFFFFFFF0, v55  }
0x402: {  	v3 =	vor.u32 v3, v4  }
0x403: {  	v4 =	vperm.xlane v3, v0;
	_ =	sdelay $0x1  }
0x404: {  	v3 =	vperm.xlane v3, v2;
	v4 =	vadd.s32 v1, v4;
	_ =	sdelay $0x1  }
0x405: {  	v3 =	vadd.s32 v1, v3;
	_ =	sdelay $0x2  }
0x406: {  	[tilespmem:s30], [sflag:$0x1] =	stream.indirect_vreg.gather [hbm4b:s1+s3], $0x80, v4, vm0, $0xb8;
	[tilespmem:$0x8080] =	vst v63  }
0x407: {  	_ = 	snop  }
0x408: {  	[tilespmem:s31], [sflag:$0x1] =	stream.indirect_vreg.gather [hbm4b:s1+s3], $0x80, v3, vm0, $0xb8;
	[tilespmem:$0x8080] =	vst v63  }
0x409: {  	_ =	swait.ge [sflag:s2], $0x8000  }
0x40a: {  	[sflag:s2] =	ssyncset.done $0x0  }
0x40b: {  	[sflag:s2] =	ssyncadd.s32 $0xFFFF8000  }
0x40c: {  	[hbm4b:s10+s3] =	stream.linear.scatter [tilespmem:s15], [sflag:$0x2], $0x8000, $0x38;
	[tilespmem:$0x8080] =	vst v63  }
0x40d: {  	_ =	swait.ge [sflag:s14], $0x8000  }
0x40e: {  	[sflag:s14] =	ssyncset.done $0x0  }
0x40f: {  	[sflag:s14] =	ssyncadd.s32 $0xFFFF8000  }
0x410: {  	[tilespmem:s3], [sflag:$0x2] =	stream.linear.gather [hbm4b:s11+s3], $0x80, $0x38;
	[tilespmem:$0x8080] =	vst v63  }
0x411: {  	_ =	swait.ge [sflag:s14], $0x80  }
0x412: {  	[sflag:s14] =	ssyncset.done $0x0  }
0x413: {  	[sflag:s14] =	ssyncadd.s32 $0xFFFFFF80  }
0x414: {  	v3 =	vld [tilespmem:$0x0];
	_ =	sdelay $0x4  }
0x415: {  	v56 =	vshll.u32 v3, $0x1  }
0x416: {  	v3 =	vand.u32 $0x7, v3;
	v4 =	vand.u32 $0xFFFFFFF0, v56  }
0x417: {  	v3 =	vor.u32 v3, v4  }
0x418: {  	v4 =	vperm.xlane v3, v0;
	_ =	sdelay $0x1  }
0x419: {  	v3 =	vperm.xlane v3, v2;
	v4 =	vadd.s32 v1, v4;
	_ =	sdelay $0x1  }
0x41a: {  	v3 =	vadd.s32 v1, v3;
	_ =	sdelay $0x2  }
0x41b: {  	[tilespmem:s15], [sflag:$0x1] =	stream.indirect_vreg.gather [hbm4b:s1+s3], $0x80, v4, vm0, $0xb8;
	[tilespmem:$0x8080] =	vst v63  }
0x41c: {  	_ = 	snop  }
0x41d: {  	[tilespmem:s16], [sflag:$0x1] =	stream.indirect_vreg.gather [hbm4b:s1+s3], $0x80, v3, vm0, $0xb8;
	[tilespmem:$0x8080] =	vst v63  }
0x41e: {  	v3 =	vld [tilespmem:$0x10];
	_ =	sdelay $0x4  }
0x41f: {  	v57 =	vshll.u32 v3, $0x1  }
0x420: {  	v3 =	vand.u32 $0x7, v3;
	v4 =	vand.u32 $0xFFFFFFF0, v57  }
0x421: {  	v3 =	vor.u32 v3, v4  }
0x422: {  	v4 =	vperm.xlane v3, v0;
	_ =	sdelay $0x1  }
0x423: {  	v3 =	vperm.xlane v3, v2;
	v4 =	vadd.s32 v1, v4;
	_ =	sdelay $0x1  }
0x424: {  	v3 =	vadd.s32 v1, v3;
	_ =	sdelay $0x2  }
0x425: {  	[tilespmem:s17], [sflag:$0x1] =	stream.indirect_vreg.gather [hbm4b:s1+s3], $0x80, v4, vm0, $0xb8;
	[tilespmem:$0x8080] =	vst v63  }
0x426: {  	_ = 	snop  }
0x427: {  	[tilespmem:s18], [sflag:$0x1] =	stream.indirect_vreg.gather [hbm4b:s1+s3], $0x80, v3, vm0, $0xb8;
	[tilespmem:$0x8080] =	vst v63  }
0x428: {  	v3 =	vld [tilespmem:$0x20];
	_ =	sdelay $0x4  }
0x429: {  	v58 =	vshll.u32 v3, $0x1  }
0x42a: {  	v3 =	vand.u32 $0x7, v3;
	v4 =	vand.u32 $0xFFFFFFF0, v58  }
0x42b: {  	v3 =	vor.u32 v3, v4  }
0x42c: {  	v4 =	vperm.xlane v3, v0;
	_ =	sdelay $0x1  }
0x42d: {  	v3 =	vperm.xlane v3, v2;
	v4 =	vadd.s32 v1, v4;
	_ =	sdelay $0x1  }
0x42e: {  	v3 =	vadd.s32 v1, v3;
	_ =	sdelay $0x2  }
0x42f: {  	[tilespmem:s19], [sflag:$0x1] =	stream.indirect_vreg.gather [hbm4b:s1+s3], $0x80, v4, vm0, $0xb8;
	[tilespmem:$0x8080] =	vst v63  }
0x430: {  	_ = 	snop  }
0x431: {  	[tilespmem:s20], [sflag:$0x1] =	stream.indirect_vreg.gather [hbm4b:s1+s3], $0x80, v3, vm0, $0xb8;
	[tilespmem:$0x8080] =	vst v63  }
0x432: {  	v3 =	vld [tilespmem:$0x30];
	_ =	sdelay $0x4  }
0x433: {  	v59 =	vshll.u32 v3, $0x1  }
0x434: {  	v3 =	vand.u32 $0x7, v3;
	v4 =	vand.u32 $0xFFFFFFF0, v59  }
0x435: {  	v3 =	vor.u32 v3, v4  }
0x436: {  	v4 =	vperm.xlane v3, v0;
	_ =	sdelay $0x1  }
0x437: {  	v3 =	vperm.xlane v3, v2;
	v4 =	vadd.s32 v1, v4;
	_ =	sdelay $0x1  }
0x438: {  	v3 =	vadd.s32 v1, v3;
	_ =	sdelay $0x2  }
0x439: {  	[tilespmem:s21], [sflag:$0x1] =	stream.indirect_vreg.gather [hbm4b:s1+s3], $0x80, v4, vm0, $0xb8;
	[tilespmem:$0x8080] =	vst v63  }
0x43a: {  	_ = 	snop  }
0x43b: {  	[tilespmem:s22], [sflag:$0x1] =	stream.indirect_vreg.gather [hbm4b:s1+s3], $0x80, v3, vm0, $0xb8;
	[tilespmem:$0x8080] =	vst v63  }
0x43c: {  	v3 =	vld [tilespmem:$0x40];
	_ =	sdelay $0x4  }
0x43d: {  	v60 =	vshll.u32 v3, $0x1  }
0x43e: {  	v3 =	vand.u32 $0x7, v3;
	v4 =	vand.u32 $0xFFFFFFF0, v60  }
0x43f: {  	v3 =	vor.u32 v3, v4  }
0x440: {  	v4 =	vperm.xlane v3, v0;
	_ =	sdelay $0x1  }
0x441: {  	v3 =	vperm.xlane v3, v2;
	v4 =	vadd.s32 v1, v4;
	_ =	sdelay $0x1  }
0x442: {  	v3 =	vadd.s32 v1, v3;
	_ =	sdelay $0x2  }
0x443: {  	[tilespmem:s23], [sflag:$0x1] =	stream.indirect_vreg.gather [hbm4b:s1+s3], $0x80, v4, vm0, $0xb8;
	[tilespmem:$0x8080] =	vst v63  }
0x444: {  	_ = 	snop  }
0x445: {  	[tilespmem:s24], [sflag:$0x1] =	stream.indirect_vreg.gather [hbm4b:s1+s3], $0x80, v3, vm0, $0xb8;
	[tilespmem:$0x8080] =	vst v63  }
0x446: {  	v3 =	vld [tilespmem:$0x50];
	_ =	sdelay $0x4  }
0x447: {  	v61 =	vshll.u32 v3, $0x1  }
0x448: {  	v3 =	vand.u32 $0x7, v3;
	v4 =	vand.u32 $0xFFFFFFF0, v61  }
0x449: {  	v3 =	vor.u32 v3, v4  }
0x44a: {  	v4 =	vperm.xlane v3, v0;
	_ =	sdelay $0x1  }
0x44b: {  	v3 =	vperm.xlane v3, v2;
	v4 =	vadd.s32 v1, v4;
	_ =	sdelay $0x1  }
0x44c: {  	v3 =	vadd.s32 v1, v3;
	_ =	sdelay $0x2  }
0x44d: {  	[tilespmem:s25], [sflag:$0x1] =	stream.indirect_vreg.gather [hbm4b:s1+s3], $0x80, v4, vm0, $0xb8;
	[tilespmem:$0x8080] =	vst v63  }
0x44e: {  	_ = 	snop  }
0x44f: {  	[tilespmem:s26], [sflag:$0x1] =	stream.indirect_vreg.gather [hbm4b:s1+s3], $0x80, v3, vm0, $0xb8;
	[tilespmem:$0x8080] =	vst v63  }
0x450: {  	v3 =	vld [tilespmem:$0x60];
	_ =	sdelay $0x4  }
0x451: {  	v62 =	vshll.u32 v3, $0x1  }
0x452: {  	v3 =	vand.u32 $0x7, v3;
	v4 =	vand.u32 $0xFFFFFFF0, v62  }
0x453: {  	v3 =	vor.u32 v3, v4  }
0x454: {  	v4 =	vperm.xlane v3, v0;
	_ =	sdelay $0x1  }
0x455: {  	v3 =	vperm.xlane v3, v2;
	v4 =	vadd.s32 v1, v4;
	_ =	sdelay $0x1  }
0x456: {  	v3 =	vadd.s32 v1, v3;
	_ =	sdelay $0x2  }
0x457: {  	[tilespmem:s28], [sflag:$0x1] =	stream.indirect_vreg.gather [hbm4b:s1+s3], $0x80, v4, vm0, $0xb8;
	[tilespmem:$0x8080] =	vst v63  }
0x458: {  	_ = 	snop  }
0x459: {  	[tilespmem:s29], [sflag:$0x1] =	stream.indirect_vreg.gather [hbm4b:s1+s3], $0x80, v3, vm0, $0xb8;
	[tilespmem:$0x8080] =	vst v63  }
0x45a: {  	v3 =	vld [tilespmem:$0x70];
	_ =	sdelay $0x4  }
0x45b: {  	v63 =	vshll.u32 v3, $0x1  }
0x45c: {  	v3 =	vand.u32 $0x7, v3;
	v4 =	vand.u32 $0xFFFFFFF0, v63  }
0x45d: {  	v3 =	vor.u32 v3, v4  }
0x45e: {  	v4 =	vperm.xlane v3, v0;
	_ =	sdelay $0x1  }
0x45f: {  	v3 =	vperm.xlane v3, v2;
	v4 =	vadd.s32 v1, v4;
	_ =	sdelay $0x1  }
0x460: {  	v3 =	vadd.s32 v1, v3;
	_ =	sdelay $0x2  }
0x461: {  	[tilespmem:s30], [sflag:$0x1] =	stream.indirect_vreg.gather [hbm4b:s1+s3], $0x80, v4, vm0, $0xb8;
	[tilespmem:$0x8080] =	vst v63  }
0x462: {  	_ = 	snop  }
0x463: {  	[tilespmem:s31], [sflag:$0x1] =	stream.indirect_vreg.gather [hbm4b:s1+s3], $0x80, v3, vm0, $0xb8;
	[tilespmem:$0x8080] =	vst v63  }
0x464: {  	_ =	swait.ge [sflag:s2], $0x8000  }
0x465: {  	p0 =	sne.s32 s13, $0x1;
	[sflag:s2] =	ssyncset.done $0x0  }
.Ltmp0:
0x466: {  	[sflag:s2] =	ssyncadd.s32 $0xFFFF8000;
	(pc) =	sbr.rel @p0 .LBB2_1-.Ltmp0, $4  }
0x467: {  	[hbm4b:s12+s3] =	stream.linear.scatter [tilespmem:s15], [sflag:$0x2], $0x8000, $0x38;
	[tilespmem:$0x8080] =	vst v63  }
0x468: {  	_ =	swait.ge [sflag:s14], $0x8000  }
0x469: {  	[sflag:s14] =	ssyncset.done $0x0  }
0x46a: {  	s13 =	sadd.s32 $0xFFFFFFFF, s13;
	[sflag:s14] =	ssyncadd.s32 $0xFFFF8000  }
0x46b: {  	_ =	sfence.sel $0x180000  }
0x46c: {  	[bflag:$0x0] =	sbarrier.arrive $0xFFFF  }
0x46d: {  	_ =	strace $0x90000047  }
0x46e: {  	s0 =	stileid.u32;
	[bflag:$0x2] =	sbarrier.arrive $0xFFFF  }
0x46f: {  	p0 =	sne.s32 s0, $0x0;
	s0 =	rddreg [dreg:$0x3]  }
0x470: {  	s0 =	sadd.s32 @!p0 $0x100000, s0  }
0x471: {  	[sflag:s0] =	ssyncadd.tile.s32 @!p0 $0x1;
	_ =	shalt  }
.Lfunc_end2:
_tile_overlayer_lowered:
.L_overlay_start_2:
0x472: {  	(tag) =	ssettag $0x2  }
0x473: {  	s0 =	rddreg [dreg:$0x0];
	s2 =	stileid.u32  }
0x474: {  	s1 =	rddreg [dreg:$0x1];
	p0 =	sne.s32 s2, $0x0  }
0x475: {  	s3 =	rddreg [dreg:$0x2];
	[bflag:$0x3] =	sbarrier.arrive $0xFFFF;
	s2 =	simm.s32 @!p0 $0x1C02  }
0x476: {  	[timem:s3], [sflag:s2] =	dma.local @!p0 [hbm:s0], s1  }
0x477: {  	s0 =	simm.s32 @!p0 $0x2  }
0x478: {  	_ =	swait.ge @!p0 [sflag:s0], s1  }
0x479: {  	s1 =	ssub.s32 @!p0 $0x0, s1;
	[sflag:s0] =	ssyncset.done @!p0 $0x0  }
0x47a: {  	[sflag:s0] =	ssyncadd.s32 @!p0 s1  }
0x47b: {  	[bflag:$0x3] =	sbarrier.arrive $0xFFFF  }
0x47c: {  	_ =	shalt  }

</sc_bundles>
